<compile_context>
chip_gen: v7x
topology: tpu7x:2x2x1
jax: 0.10.2.dev20260603
libtpu: 0.0.44.dev20260713+nightly
codegen_flags: <defaults>
</compile_context>

<pallas_src>
import functools

import jax
import jax.numpy as jnp
from jax import lax
from jax.experimental import pallas as pl
from jax.experimental.pallas import tpu as pltpu
from jax.experimental.pallas import tpu_sc as plsc

_NUM_EMBEDDINGS = 1024
_DIM = 64
_ROWS = 9216
_BLK = 1024
_GRID = _ROWS // _BLK
_COMMIT = 0.25
_LOSS_SCALE = _COMMIT / float(_ROWS * _DIM)
_NUM_WORKERS = 32
_ROWS_PER_WORKER = _ROWS // _NUM_WORKERS


def _tc_body(z_ref, e_ref, idx_ref, loss_ref):
    z = z_ref[...]
    e = e_ref[...]
    ones_row = jnp.ones((1, _DIM), jnp.float32)
    zsq = lax.dot_general(ones_row, z * z, (((1,), (1,)), ((), ())),
                          preferred_element_type=jnp.float32)
    esq = lax.dot_general(e * e, ones_row, (((1,), (1,)), ((), ())),
                          preferred_element_type=jnp.float32)
    e2 = e * -2.0
    ids8 = lax.broadcasted_iota(jnp.int32, (8, _BLK), 0)
    mm = lax.dot_general(e2, z, (((1,), (1,)), ((), ())),
                         preferred_element_type=jnp.float32)
    best_d = None
    best_i = None
    for c in range(0, _NUM_EMBEDDINGS, 8):
        d_c = (zsq + esq[c:c + 8]) + mm[c:c + 8]
        i_c = ids8 + c
        if best_d is None:
            best_d, best_i = d_c, i_c
        else:
            m = d_c < best_d
            best_d = jnp.where(m, d_c, best_d)
            best_i = jnp.where(m, i_c, best_i)
    for sh in (4, 2, 1):
        a_d, b_d = best_d[:sh], best_d[sh:2 * sh]
        a_i, b_i = best_i[:sh], best_i[sh:2 * sh]
        m = (b_d < a_d) | ((b_d == a_d) & (b_i < a_i))
        best_i = jnp.where(m, b_i, a_i)
        best_d = jnp.where(m, b_d, a_d)
    idx_ref[...] = best_i.reshape(_BLK)

    step = pl.program_id(0)
    prev = loss_ref[...]
    acc = jnp.where(step == 0, 0.0, prev[0, 0]) + jnp.sum(best_d)
    out = jnp.where(step == _GRID - 1, acc * _LOSS_SCALE, acc)
    loss_ref[...] = out.reshape(1, 1)


def _tc_argmin(z_flat, embedding):
    return pl.pallas_call(
        _tc_body,
        grid=(_GRID,),
        in_specs=[
            pl.BlockSpec((_BLK, _DIM), lambda i: (i, 0)),
            pl.BlockSpec((_NUM_EMBEDDINGS, _DIM), lambda i: (0, 0)),
        ],
        out_specs=[
            pl.BlockSpec((_BLK,), lambda i: (i,)),
            pl.BlockSpec((1, 1), lambda i: (0, 0)),
        ],
        out_shape=[
            jax.ShapeDtypeStruct((_ROWS,), jnp.int32),
            jax.ShapeDtypeStruct((1, 1), jnp.float32),
        ],
    )(z_flat, embedding)


def _sc_gather(embedding, idx):
    mesh = plsc.VectorSubcoreMesh(core_axis_name="c", subcore_axis_name="s")

    @functools.partial(
        pl.kernel,
        out_type=jax.ShapeDtypeStruct((_ROWS, _DIM), jnp.float32),
        mesh=mesh,
        scratch_types=[
            pltpu.VMEM((_ROWS_PER_WORKER,), jnp.int32),
            pltpu.VMEM((_ROWS_PER_WORKER, _DIM), jnp.float32),
            pltpu.SemaphoreType.DMA,
        ],
        compiler_params=pltpu.CompilerParams(use_tc_tiling_on_sc=False),
    )
    def gather_kernel(e_hbm, idx_hbm, out_hbm, idx_v, rows_v, sem):
        wid = lax.axis_index("s") * 2 + lax.axis_index("c")
        base = wid * _ROWS_PER_WORKER
        pltpu.sync_copy(idx_hbm.at[pl.ds(base, _ROWS_PER_WORKER)], idx_v)
        pltpu.async_copy(e_hbm.at[idx_v], rows_v, sem).wait()
        pltpu.sync_copy(rows_v, out_hbm.at[pl.ds(base, _ROWS_PER_WORKER)])

    return gather_kernel(embedding, idx)


def kernel(inputs, embedding):
    z_flat = inputs.reshape(_ROWS, _DIM)
    idx, loss = _tc_argmin(z_flat, embedding)
    quantized = _sc_gather(embedding, idx)
    return quantized.reshape(inputs.shape), loss[0, 0], idx

# --- scband reference (transcript-rebuilt; emitter-appended) ---
"""Pipeline reference for scband-vector-quantizer-56049323213427 (READ-ONLY COPY).

The authoritative reference and input builder live on the scoring server;
editing this copy changes nothing except your own understanding.
"""

import jax, jax.numpy as jnp
import numpy as np

NUM_EMBEDDINGS = 1024
EMBEDDING_DIM = 64
COMMITMENT_COST = 0.25


def setup_inputs(seed: int = 0) -> dict:
    key = jax.random.key(seed)
    k1, k2 = jax.random.split(key)
    inputs = jax.random.normal(k1, (16, 576, EMBEDDING_DIM), dtype=jnp.float32)
    embedding = jax.random.uniform(
        k2, (NUM_EMBEDDINGS, EMBEDDING_DIM),
        minval=-1.0 / NUM_EMBEDDINGS, maxval=1.0 / NUM_EMBEDDINGS,
        dtype=jnp.float32)
    return {"inputs": inputs, "embedding": embedding}


def reference(inputs, embedding):
    # Eval-mode VectorQuantizer.forward (no warmup bypass, no EMA update).
    input_shape = inputs.shape
    flat_inputs = inputs.reshape(-1, EMBEDDING_DIM)
    # distances: ||z||^2 + ||e||^2 - 2 z e^T
    distances = (jnp.sum(flat_inputs ** 2, axis=1, keepdims=True)
                 + jnp.sum(embedding ** 2, axis=1)
                 - 2.0 * jnp.matmul(flat_inputs, embedding.T))
    encoding_indices = jnp.argmin(distances, axis=1)
    quantized_flat = jnp.take(embedding, encoding_indices, axis=0)
    quantized = quantized_flat.reshape(input_shape)
    # commitment loss: beta * mse(inputs, sg(quantized))
    e_latent_loss = jnp.mean((inputs - jax.lax.stop_gradient(quantized)) ** 2)
    commitment_loss = COMMITMENT_COST * e_latent_loss
    # straight-through estimator
    quantized_st = inputs + jax.lax.stop_gradient(quantized - inputs)
    return (quantized_st, commitment_loss, encoding_indices)

if __name__ == "__main__":
    import jax
    _d = setup_inputs()
    print(jax.jit(kernel)(*tuple(_d.values())))

</pallas_src>

<mosaic_0001>
#map = affine_map<(d0, d1) -> (0, 0)>
#map1 = affine_map<(d0, d1) -> (0)>
module attributes {stable_mosaic.version = 14 : i64} {
  func.func @gather_kernel(%arg0: i32, %arg1: i32, %arg2: memref<1024x64xf32, #tpu.memory_space<hbm>>, %arg3: memref<9216xi32, #tpu.memory_space<hbm>>, %arg4: memref<9216x64xf32, #tpu.memory_space<hbm>>, %arg5: memref<288xi32, #tpu.memory_space<vmem>>, %arg6: memref<288x64xf32, #tpu.memory_space<vmem>>, %arg7: memref<!tpu.dma_semaphore, #tpu.memory_space<semaphore_mem>>) attributes {dimension_semantics = [#tpu.dimension_semantics<core_parallel>, #tpu.dimension_semantics<subcore_parallel>], iteration_bounds = array<i64: 2, 16>, scalar_prefetch = 0 : i64, scratch_operands = 3 : i64, tpu.core_type = #tpu.core_type<sc_vector_subcore>, window_params = [{transform_indices = #map}, {transform_indices = #map1}, {transform_indices = #map}]} {
    %mul3A = arith.constant 2 : i32
    %mul3A_0 = arith.muli %arg1, %mul3A : i32
    %add3A = arith.addi %mul3A_0, %arg0 : i32
    %mul3A_1 = arith.constant 288 : i32
    %mul3A_2 = arith.muli %add3A, %mul3A_1 : i32
    "tpu.region"() ({
      %run_scoped3A = tpu.sem_alloc : memref<!tpu.dma_semaphore, #tpu.memory_space<semaphore_mem>>
      %dma_start3A_7 = tpu.memref_slice %arg3[%mul3A_2] : memref<9216xi32, #tpu.memory_space<hbm>> -> memref<288xi32, #tpu.memory_space<hbm>>
      %dma_start3A_8 = tpu.memref_slice %arg3[%mul3A_2] : memref<9216xi32, #tpu.memory_space<hbm>> -> memref<288xi32, #tpu.memory_space<hbm>>
      tpu.enqueue_dma source(%dma_start3A_8 : memref<288xi32, #tpu.memory_space<hbm>>) target(%arg5 : memref<288xi32, #tpu.memory_space<vmem>>) target_semaphore(%run_scoped3A : memref<!tpu.dma_semaphore, #tpu.memory_space<semaphore_mem>>)
      %dma_wait3A_9 = tpu.memref_slice %arg3[%mul3A_2] : memref<9216xi32, #tpu.memory_space<hbm>> -> memref<288xi32, #tpu.memory_space<hbm>>
      %dma_wait3A_10 = tpu.memref_slice %arg3[%mul3A_2] : memref<9216xi32, #tpu.memory_space<hbm>> -> memref<288xi32, #tpu.memory_space<hbm>>
      tpu.wait_dma2 semaphore(%run_scoped3A : memref<!tpu.dma_semaphore, #tpu.memory_space<semaphore_mem>>) src(%dma_wait3A_10 : memref<288xi32, #tpu.memory_space<hbm>>) dst(%arg5 : memref<288xi32, #tpu.memory_space<vmem>>)
      tpu.yield
    }) : () -> ()
    %dma_start3A = arith.constant 0 : i32
    %dma_start3A_3 = arith.constant 0 : i32
    %dma_start3A_4 = tpu.memref_slice %arg2[%dma_start3A, %dma_start3A_3] : memref<1024x64xf32, #tpu.memory_space<hbm>> -> memref<1024x64xf32, #tpu.memory_space<hbm>>
    tpu.enqueue_indirect_dma source(%dma_start3A_4 : memref<1024x64xf32, #tpu.memory_space<hbm>>) target(%arg6 : memref<288x64xf32, #tpu.memory_space<vmem>>) offsets(%arg5 : memref<288xi32, #tpu.memory_space<vmem>>) semaphore(%arg7 : memref<!tpu.dma_semaphore, #tpu.memory_space<semaphore_mem>>)
    %dma_wait3A = arith.constant 0 : i32
    %dma_wait3A_5 = arith.constant 0 : i32
    %dma_wait3A_6 = tpu.memref_slice %arg2[%dma_wait3A, %dma_wait3A_5] : memref<1024x64xf32, #tpu.memory_space<hbm>> -> memref<1024x64xf32, #tpu.memory_space<hbm>>
    tpu.wait_indirect_dma semaphore(%arg7 : memref<!tpu.dma_semaphore, #tpu.memory_space<semaphore_mem>>) src(%dma_wait3A_6 : memref<1024x64xf32, #tpu.memory_space<hbm>>) dst(%arg6 : memref<288x64xf32, #tpu.memory_space<vmem>>)
    "tpu.region"() ({
      %run_scoped3A = tpu.sem_alloc : memref<!tpu.dma_semaphore, #tpu.memory_space<semaphore_mem>>
      %dma_start3A_7 = arith.constant 0 : i32
      %dma_start3A_8 = tpu.memref_slice %arg4[%mul3A_2, %dma_start3A_7] : memref<9216x64xf32, #tpu.memory_space<hbm>> -> memref<288x64xf32, #tpu.memory_space<hbm>>
      %dma_start3A_9 = arith.constant 0 : i32
      %dma_start3A_10 = tpu.memref_slice %arg4[%mul3A_2, %dma_start3A_9] : memref<9216x64xf32, #tpu.memory_space<hbm>> -> memref<288x64xf32, #tpu.memory_space<hbm>>
      tpu.enqueue_dma source(%arg6 : memref<288x64xf32, #tpu.memory_space<vmem>>) target(%dma_start3A_10 : memref<288x64xf32, #tpu.memory_space<hbm>>) target_semaphore(%run_scoped3A : memref<!tpu.dma_semaphore, #tpu.memory_space<semaphore_mem>>)
      %dma_wait3A_11 = arith.constant 0 : i32
      %dma_wait3A_12 = tpu.memref_slice %arg4[%mul3A_2, %dma_wait3A_11] : memref<9216x64xf32, #tpu.memory_space<hbm>> -> memref<288x64xf32, #tpu.memory_space<hbm>>
      %dma_wait3A_13 = arith.constant 0 : i32
      %dma_wait3A_14 = tpu.memref_slice %arg4[%mul3A_2, %dma_wait3A_13] : memref<9216x64xf32, #tpu.memory_space<hbm>> -> memref<288x64xf32, #tpu.memory_space<hbm>>
      tpu.wait_dma2 semaphore(%run_scoped3A : memref<!tpu.dma_semaphore, #tpu.memory_space<semaphore_mem>>) src(%arg6 : memref<288x64xf32, #tpu.memory_space<vmem>>) dst(%dma_wait3A_14 : memref<288x64xf32, #tpu.memory_space<hbm>>)
      tpu.yield
    }) : () -> ()
    return
  }
}

module attributes {stable_mosaic.version = 14 : i64} {
  func.func @_tc_body(%arg0: i32, %arg1: memref<1024x64xf32, #tpu.memory_space<vmem>>, %arg2: memref<1024x64xf32, #tpu.memory_space<vmem>>, %arg3: memref<1024xi32, #tpu.memory_space<vmem>>, %arg4: memref<1x1xf32, #tpu.memory_space<vmem>>) attributes {dimension_semantics = [#tpu.dimension_semantics<arbitrary>], iteration_bounds = array<i64: 9>, scalar_prefetch = 0 : i64, scratch_operands = 0 : i64, tpu.core_type = #tpu.core_type<tc>, window_params = [{transform_indices = @transform_0, window_bounds = array<i64: 1024, 64>}, {pipeline_mode = #tpu.pipeline_mode<synchronous>, transform_indices = @transform_1, window_bounds = array<i64: 1024, 64>}, {transform_indices = @transform_2, window_bounds = array<i64: 1024>}, {pipeline_mode = #tpu.pipeline_mode<synchronous>, transform_indices = @transform_3, window_bounds = array<i64: 1, 1>}]} {
    %get3A = arith.constant 0 : index
    %get3A_0 = arith.constant 0 : index
    %get3A_1 = vector.load %arg1[%get3A, %get3A_0] : memref<1024x64xf32, #tpu.memory_space<vmem>>, vector<1024x64xf32>
    %get3A_2 = arith.constant 0 : index
    %get3A_3 = arith.constant 0 : index
    %get3A_4 = vector.load %arg2[%get3A_2, %get3A_3] : memref<1024x64xf32, #tpu.memory_space<vmem>>, vector<1024x64xf32>
    %broadcast_in_dim3A = arith.constant 1.000000e+00 : f32
    %broadcast_in_dim3A_5 = vector.broadcast %broadcast_in_dim3A : f32 to vector<1x64xf32>
    %mul3A = arith.mulf %get3A_1, %get3A_1 : vector<1024x64xf32>
    %dot_general3A = arith.constant dense<0.000000e+00> : vector<1x1024xf32>
    %dot_general3A_6 = tpu.matmul %broadcast_in_dim3A_5, %mul3A, %dot_general3A {dimension_numbers = #tpu.dot_dimension_numbers<[1], [1], [0], [0], [0, 0, 1, 0], [], []>, transpose_lhs_hint = false} : vector<1x64xf32>, vector<1024x64xf32>, vector<1x1024xf32> -> vector<1x1024xf32>
    %mul3A_7 = arith.mulf %get3A_4, %get3A_4 : vector<1024x64xf32>
    %dot_general3A_8 = arith.constant dense<0.000000e+00> : vector<1024x1xf32>
    %dot_general3A_9 = tpu.matmul %mul3A_7, %broadcast_in_dim3A_5, %dot_general3A_8 {dimension_numbers = #tpu.dot_dimension_numbers<[1], [1], [0], [0], [0, 0, 1, 0], [], []>, transpose_lhs_hint = false} : vector<1024x64xf32>, vector<1x64xf32>, vector<1024x1xf32> -> vector<1024x1xf32>
    %mul3A_10 = arith.constant -2.000000e+00 : f32
    %mul3A_11 = vector.broadcast %mul3A_10 : f32 to vector<1024x64xf32>
    %mul3A_12 = arith.mulf %get3A_4, %mul3A_11 : vector<1024x64xf32>
    %iota3A = tpu.iota {dimensions = array<i32: 0>} : vector<8x1024xi32>
    %dot_general3A_13 = arith.constant dense<0.000000e+00> : vector<1024x1024xf32>
    %dot_general3A_14 = tpu.matmul %mul3A_12, %get3A_1, %dot_general3A_13 {dimension_numbers = #tpu.dot_dimension_numbers<[1], [1], [0], [0], [0, 0, 1, 0], [], []>, transpose_lhs_hint = false} : vector<1024x64xf32>, vector<1024x64xf32>, vector<1024x1024xf32> -> vector<1024x1024xf32>
    %slice3A = vector.extract_strided_slice %dot_general3A_9 {offsets = [0, 0], sizes = [8, 1], strides = [1, 1]} : vector<1024x1xf32> to vector<8x1xf32>
    %add3A = vector.broadcast %dot_general3A_6 : vector<1x1024xf32> to vector<8x1024xf32>
    %add3A_15 = vector.broadcast %slice3A : vector<8x1xf32> to vector<8x1024xf32>
    %add3A_16 = arith.addf %add3A, %add3A_15 : vector<8x1024xf32>
    %slice3A_17 = vector.extract_strided_slice %dot_general3A_14 {offsets = [0, 0], sizes = [8, 1024], strides = [1, 1]} : vector<1024x1024xf32> to vector<8x1024xf32>
    %add3A_18 = arith.addf %add3A_16, %slice3A_17 : vector<8x1024xf32>
    %add3A_19 = arith.constant 0 : i32
    %add3A_20 = vector.broadcast %add3A_19 : i32 to vector<8x1024xi32>
    %add3A_21 = arith.addi %iota3A, %add3A_20 : vector<8x1024xi32>
    %slice3A_22 = vector.extract_strided_slice %dot_general3A_9 {offsets = [8, 0], sizes = [8, 1], strides = [1, 1]} : vector<1024x1xf32> to vector<8x1xf32>
    %add3A_23 = vector.broadcast %dot_general3A_6 : vector<1x1024xf32> to vector<8x1024xf32>
    %add3A_24 = vector.broadcast %slice3A_22 : vector<8x1xf32> to vector<8x1024xf32>
    %add3A_25 = arith.addf %add3A_23, %add3A_24 : vector<8x1024xf32>
    %slice3A_26 = vector.extract_strided_slice %dot_general3A_14 {offsets = [8, 0], sizes = [8, 1024], strides = [1, 1]} : vector<1024x1024xf32> to vector<8x1024xf32>
    %add3A_27 = arith.addf %add3A_25, %slice3A_26 : vector<8x1024xf32>
    %add3A_28 = arith.constant 8 : i32
    %add3A_29 = vector.broadcast %add3A_28 : i32 to vector<8x1024xi32>
    %add3A_30 = arith.addi %iota3A, %add3A_29 : vector<8x1024xi32>
    %lt3A = arith.cmpf olt, %add3A_27, %add3A_18 : vector<8x1024xf32>
    %select_n3A = arith.select %lt3A, %add3A_27, %add3A_18 : vector<8x1024xi1>, vector<8x1024xf32>
    %select_n3A_31 = arith.select %lt3A, %add3A_30, %add3A_21 : vector<8x1024xi1>, vector<8x1024xi32>
    %slice3A_32 = vector.extract_strided_slice %dot_general3A_9 {offsets = [16, 0], sizes = [8, 1], strides = [1, 1]} : vector<1024x1xf32> to vector<8x1xf32>
    %add3A_33 = vector.broadcast %dot_general3A_6 : vector<1x1024xf32> to vector<8x1024xf32>
    %add3A_34 = vector.broadcast %slice3A_32 : vector<8x1xf32> to vector<8x1024xf32>
    %add3A_35 = arith.addf %add3A_33, %add3A_34 : vector<8x1024xf32>
    %slice3A_36 = vector.extract_strided_slice %dot_general3A_14 {offsets = [16, 0], sizes = [8, 1024], strides = [1, 1]} : vector<1024x1024xf32> to vector<8x1024xf32>
    %add3A_37 = arith.addf %add3A_35, %slice3A_36 : vector<8x1024xf32>
    %add3A_38 = arith.constant 16 : i32
    %add3A_39 = vector.broadcast %add3A_38 : i32 to vector<8x1024xi32>
    %add3A_40 = arith.addi %iota3A, %add3A_39 : vector<8x1024xi32>
    %lt3A_41 = arith.cmpf olt, %add3A_37, %select_n3A : vector<8x1024xf32>
    %select_n3A_42 = arith.select %lt3A_41, %add3A_37, %select_n3A : vector<8x1024xi1>, vector<8x1024xf32>
    %select_n3A_43 = arith.select %lt3A_41, %add3A_40, %select_n3A_31 : vector<8x1024xi1>, vector<8x1024xi32>
    %slice3A_44 = vector.extract_strided_slice %dot_general3A_9 {offsets = [24, 0], sizes = [8, 1], strides = [1, 1]} : vector<1024x1xf32> to vector<8x1xf32>
    %add3A_45 = vector.broadcast %dot_general3A_6 : vector<1x1024xf32> to vector<8x1024xf32>
    %add3A_46 = vector.broadcast %slice3A_44 : vector<8x1xf32> to vector<8x1024xf32>
    %add3A_47 = arith.addf %add3A_45, %add3A_46 : vector<8x1024xf32>
    %slice3A_48 = vector.extract_strided_slice %dot_general3A_14 {offsets = [24, 0], sizes = [8, 1024], strides = [1, 1]} : vector<1024x1024xf32> to vector<8x1024xf32>
    %add3A_49 = arith.addf %add3A_47, %slice3A_48 : vector<8x1024xf32>
    %add3A_50 = arith.constant 24 : i32
    %add3A_51 = vector.broadcast %add3A_50 : i32 to vector<8x1024xi32>
    %add3A_52 = arith.addi %iota3A, %add3A_51 : vector<8x1024xi32>
    %lt3A_53 = arith.cmpf olt, %add3A_49, %select_n3A_42 : vector<8x1024xf32>
    %select_n3A_54 = arith.select %lt3A_53, %add3A_49, %select_n3A_42 : vector<8x1024xi1>, vector<8x1024xf32>
    %select_n3A_55 = arith.select %lt3A_53, %add3A_52, %select_n3A_43 : vector<8x1024xi1>, vector<8x1024xi32>
    %slice3A_56 = vector.extract_strided_slice %dot_general3A_9 {offsets = [32, 0], sizes = [8, 1], strides = [1, 1]} : vector<1024x1xf32> to vector<8x1xf32>
    %add3A_57 = vector.broadcast %dot_general3A_6 : vector<1x1024xf32> to vector<8x1024xf32>
    %add3A_58 = vector.broadcast %slice3A_56 : vector<8x1xf32> to vector<8x1024xf32>
    %add3A_59 = arith.addf %add3A_57, %add3A_58 : vector<8x1024xf32>
    %slice3A_60 = vector.extract_strided_slice %dot_general3A_14 {offsets = [32, 0], sizes = [8, 1024], strides = [1, 1]} : vector<1024x1024xf32> to vector<8x1024xf32>
    %add3A_61 = arith.addf %add3A_59, %slice3A_60 : vector<8x1024xf32>
    %add3A_62 = arith.constant 32 : i32
    %add3A_63 = vector.broadcast %add3A_62 : i32 to vector<8x1024xi32>
    %add3A_64 = arith.addi %iota3A, %add3A_63 : vector<8x1024xi32>
    %lt3A_65 = arith.cmpf olt, %add3A_61, %select_n3A_54 : vector<8x1024xf32>
    %select_n3A_66 = arith.select %lt3A_65, %add3A_61, %select_n3A_54 : vector<8x1024xi1>, vector<8x1024xf32>
    %select_n3A_67 = arith.select %lt3A_65, %add3A_64, %select_n3A_55 : vector<8x1024xi1>, vector<8x1024xi32>
    %slice3A_68 = vector.extract_strided_slice %dot_general3A_9 {offsets = [40, 0], sizes = [8, 1], strides = [1, 1]} : vector<1024x1xf32> to vector<8x1xf32>
    %add3A_69 = vector.broadcast %dot_general3A_6 : vector<1x1024xf32> to vector<8x1024xf32>
    %add3A_70 = vector.broadcast %slice3A_68 : vector<8x1xf32> to vector<8x1024xf32>
    %add3A_71 = arith.addf %add3A_69, %add3A_70 : vector<8x1024xf32>
    %slice3A_72 = vector.extract_strided_slice %dot_general3A_14 {offsets = [40, 0], sizes = [8, 1024], strides = [1, 1]} : vector<1024x1024xf32> to vector<8x1024xf32>
    %add3A_73 = arith.addf %add3A_71, %slice3A_72 : vector<8x1024xf32>
    %add3A_74 = arith.constant 40 : i32
    %add3A_75 = vector.broadcast %add3A_74 : i32 to vector<8x1024xi32>
    %add3A_76 = arith.addi %iota3A, %add3A_75 : vector<8x1024xi32>
    %lt3A_77 = arith.cmpf olt, %add3A_73, %select_n3A_66 : vector<8x1024xf32>
    %select_n3A_78 = arith.select %lt3A_77, %add3A_73, %select_n3A_66 : vector<8x1024xi1>, vector<8x1024xf32>
    %select_n3A_79 = arith.select %lt3A_77, %add3A_76, %select_n3A_67 : vector<8x1024xi1>, vector<8x1024xi32>
    %slice3A_80 = vector.extract_strided_slice %dot_general3A_9 {offsets = [48, 0], sizes = [8, 1], strides = [1, 1]} : vector<1024x1xf32> to vector<8x1xf32>
    %add3A_81 = vector.broadcast %dot_general3A_6 : vector<1x1024xf32> to vector<8x1024xf32>
    %add3A_82 = vector.broadcast %slice3A_80 : vector<8x1xf32> to vector<8x1024xf32>
    %add3A_83 = arith.addf %add3A_81, %add3A_82 : vector<8x1024xf32>
    %slice3A_84 = vector.extract_strided_slice %dot_general3A_14 {offsets = [48, 0], sizes = [8, 1024], strides = [1, 1]} : vector<1024x1024xf32> to vector<8x1024xf32>
    %add3A_85 = arith.addf %add3A_83, %slice3A_84 : vector<8x1024xf32>
    %add3A_86 = arith.constant 48 : i32
    %add3A_87 = vector.broadcast %add3A_86 : i32 to vector<8x1024xi32>
    %add3A_88 = arith.addi %iota3A, %add3A_87 : vector<8x1024xi32>
    %lt3A_89 = arith.cmpf olt, %add3A_85, %select_n3A_78 : vector<8x1024xf32>
    %select_n3A_90 = arith.select %lt3A_89, %add3A_85, %select_n3A_78 : vector<8x1024xi1>, vector<8x1024xf32>
    %select_n3A_91 = arith.select %lt3A_89, %add3A_88, %select_n3A_79 : vector<8x1024xi1>, vector<8x1024xi32>
    %slice3A_92 = vector.extract_strided_slice %dot_general3A_9 {offsets = [56, 0], sizes = [8, 1], strides = [1, 1]} : vector<1024x1xf32> to vector<8x1xf32>
    %add3A_93 = vector.broadcast %dot_general3A_6 : vector<1x1024xf32> to vector<8x1024xf32>
    %add3A_94 = vector.broadcast %slice3A_92 : vector<8x1xf32> to vector<8x1024xf32>
    %add3A_95 = arith.addf %add3A_93, %add3A_94 : vector<8x1024xf32>
    %slice3A_96 = vector.extract_strided_slice %dot_general3A_14 {offsets = [56, 0], sizes = [8, 1024], strides = [1, 1]} : vector<1024x1024xf32> to vector<8x1024xf32>
    %add3A_97 = arith.addf %add3A_95, %slice3A_96 : vector<8x1024xf32>
    %add3A_98 = arith.constant 56 : i32
    %add3A_99 = vector.broadcast %add3A_98 : i32 to vector<8x1024xi32>
    %add3A_100 = arith.addi %iota3A, %add3A_99 : vector<8x1024xi32>
    %lt3A_101 = arith.cmpf olt, %add3A_97, %select_n3A_90 : vector<8x1024xf32>
    %select_n3A_102 = arith.select %lt3A_101, %add3A_97, %select_n3A_90 : vector<8x1024xi1>, vector<8x1024xf32>
    %select_n3A_103 = arith.select %lt3A_101, %add3A_100, %select_n3A_91 : vector<8x1024xi1>, vector<8x1024xi32>
    %slice3A_104 = vector.extract_strided_slice %dot_general3A_9 {offsets = [64, 0], sizes = [8, 1], strides = [1, 1]} : vector<1024x1xf32> to vector<8x1xf32>
    %add3A_105 = vector.broadcast %dot_general3A_6 : vector<1x1024xf32> to vector<8x1024xf32>
    %add3A_106 = vector.broadcast %slice3A_104 : vector<8x1xf32> to vector<8x1024xf32>
    %add3A_107 = arith.addf %add3A_105, %add3A_106 : vector<8x1024xf32>
    %slice3A_108 = vector.extract_strided_slice %dot_general3A_14 {offsets = [64, 0], sizes = [8, 1024], strides = [1, 1]} : vector<1024x1024xf32> to vector<8x1024xf32>
    %add3A_109 = arith.addf %add3A_107, %slice3A_108 : vector<8x1024xf32>
    %add3A_110 = arith.constant 64 : i32
    %add3A_111 = vector.broadcast %add3A_110 : i32 to vector<8x1024xi32>
    %add3A_112 = arith.addi %iota3A, %add3A_111 : vector<8x1024xi32>
    %lt3A_113 = arith.cmpf olt, %add3A_109, %select_n3A_102 : vector<8x1024xf32>
    %select_n3A_114 = arith.select %lt3A_113, %add3A_109, %select_n3A_102 : vector<8x1024xi1>, vector<8x1024xf32>
    %select_n3A_115 = arith.select %lt3A_113, %add3A_112, %select_n3A_103 : vector<8x1024xi1>, vector<8x1024xi32>
    %slice3A_116 = vector.extract_strided_slice %dot_general3A_9 {offsets = [72, 0], sizes = [8, 1], strides = [1, 1]} : vector<1024x1xf32> to vector<8x1xf32>
    %add3A_117 = vector.broadcast %dot_general3A_6 : vector<1x1024xf32> to vector<8x1024xf32>
    %add3A_118 = vector.broadcast %slice3A_116 : vector<8x1xf32> to vector<8x1024xf32>
    %add3A_119 = arith.addf %add3A_117, %add3A_118 : vector<8x1024xf32>
    %slice3A_120 = vector.extract_strided_slice %dot_general3A_14 {offsets = [72, 0], sizes = [8, 1024], strides = [1, 1]} : vector<1024x1024xf32> to vector<8x1024xf32>
    %add3A_121 = arith.addf %add3A_119, %slice3A_120 : vector<8x1024xf32>
    %add3A_122 = arith.constant 72 : i32
    %add3A_123 = vector.broadcast %add3A_122 : i32 to vector<8x1024xi32>
    %add3A_124 = arith.addi %iota3A, %add3A_123 : vector<8x1024xi32>
    %lt3A_125 = arith.cmpf olt, %add3A_121, %select_n3A_114 : vector<8x1024xf32>
    %select_n3A_126 = arith.select %lt3A_125, %add3A_121, %select_n3A_114 : vector<8x1024xi1>, vector<8x1024xf32>
    %select_n3A_127 = arith.select %lt3A_125, %add3A_124, %select_n3A_115 : vector<8x1024xi1>, vector<8x1024xi32>
    %slice3A_128 = vector.extract_strided_slice %dot_general3A_9 {offsets = [80, 0], sizes = [8, 1], strides = [1, 1]} : vector<1024x1xf32> to vector<8x1xf32>
    %add3A_129 = vector.broadcast %dot_general3A_6 : vector<1x1024xf32> to vector<8x1024xf32>
    %add3A_130 = vector.broadcast %slice3A_128 : vector<8x1xf32> to vector<8x1024xf32>
    %add3A_131 = arith.addf %add3A_129, %add3A_130 : vector<8x1024xf32>
    %slice3A_132 = vector.extract_strided_slice %dot_general3A_14 {offsets = [80, 0], sizes = [8, 1024], strides = [1, 1]} : vector<1024x1024xf32> to vector<8x1024xf32>
    %add3A_133 = arith.addf %add3A_131, %slice3A_132 : vector<8x1024xf32>
    %add3A_134 = arith.constant 80 : i32
    %add3A_135 = vector.broadcast %add3A_134 : i32 to vector<8x1024xi32>
    %add3A_136 = arith.addi %iota3A, %add3A_135 : vector<8x1024xi32>
    %lt3A_137 = arith.cmpf olt, %add3A_133, %select_n3A_126 : vector<8x1024xf32>
    %select_n3A_138 = arith.select %lt3A_137, %add3A_133, %select_n3A_126 : vector<8x1024xi1>, vector<8x1024xf32>
    %select_n3A_139 = arith.select %lt3A_137, %add3A_136, %select_n3A_127 : vector<8x1024xi1>, vector<8x1024xi32>
    %slice3A_140 = vector.extract_strided_slice %dot_general3A_9 {offsets = [88, 0], sizes = [8, 1], strides = [1, 1]} : vector<1024x1xf32> to vector<8x1xf32>
    %add3A_141 = vector.broadcast %dot_general3A_6 : vector<1x1024xf32> to vector<8x1024xf32>
    %add3A_142 = vector.broadcast %slice3A_140 : vector<8x1xf32> to vector<8x1024xf32>
    %add3A_143 = arith.addf %add3A_141, %add3A_142 : vector<8x1024xf32>
    %slice3A_144 = vector.extract_strided_slice %dot_general3A_14 {offsets = [88, 0], sizes = [8, 1024], strides = [1, 1]} : vector<1024x1024xf32> to vector<8x1024xf32>
    %add3A_145 = arith.addf %add3A_143, %slice3A_144 : vector<8x1024xf32>
    %add3A_146 = arith.constant 88 : i32
    %add3A_147 = vector.broadcast %add3A_146 : i32 to vector<8x1024xi32>
    %add3A_148 = arith.addi %iota3A, %add3A_147 : vector<8x1024xi32>
    %lt3A_149 = arith.cmpf olt, %add3A_145, %select_n3A_138 : vector<8x1024xf32>
    %select_n3A_150 = arith.select %lt3A_149, %add3A_145, %select_n3A_138 : vector<8x1024xi1>, vector<8x1024xf32>
    %select_n3A_151 = arith.select %lt3A_149, %add3A_148, %select_n3A_139 : vector<8x1024xi1>, vector<8x1024xi32>
    %slice3A_152 = vector.extract_strided_slice %dot_general3A_9 {offsets = [96, 0], sizes = [8, 1], strides = [1, 1]} : vector<1024x1xf32> to vector<8x1xf32>
    %add3A_153 = vector.broadcast %dot_general3A_6 : vector<1x1024xf32> to vector<8x1024xf32>
    %add3A_154 = vector.broadcast %slice3A_152 : vector<8x1xf32> to vector<8x1024xf32>
    %add3A_155 = arith.addf %add3A_153, %add3A_154 : vector<8x1024xf32>
    %slice3A_156 = vector.extract_strided_slice %dot_general3A_14 {offsets = [96, 0], sizes = [8, 1024], strides = [1, 1]} : vector<1024x1024xf32> to vector<8x1024xf32>
    %add3A_157 = arith.addf %add3A_155, %slice3A_156 : vector<8x1024xf32>
    %add3A_158 = arith.constant 96 : i32
    %add3A_159 = vector.broadcast %add3A_158 : i32 to vector<8x1024xi32>
    %add3A_160 = arith.addi %iota3A, %add3A_159 : vector<8x1024xi32>
    %lt3A_161 = arith.cmpf olt, %add3A_157, %select_n3A_150 : vector<8x1024xf32>
    %select_n3A_162 = arith.select %lt3A_161, %add3A_157, %select_n3A_150 : vector<8x1024xi1>, vector<8x1024xf32>
    %select_n3A_163 = arith.select %lt3A_161, %add3A_160, %select_n3A_151 : vector<8x1024xi1>, vector<8x1024xi32>
    %slice3A_164 = vector.extract_strided_slice %dot_general3A_9 {offsets = [104, 0], sizes = [8, 1], strides = [1, 1]} : vector<1024x1xf32> to vector<8x1xf32>
    %add3A_165 = vector.broadcast %dot_general3A_6 : vector<1x1024xf32> to vector<8x1024xf32>
    %add3A_166 = vector.broadcast %slice3A_164 : vector<8x1xf32> to vector<8x1024xf32>
    %add3A_167 = arith.addf %add3A_165, %add3A_166 : vector<8x1024xf32>
    %slice3A_168 = vector.extract_strided_slice %dot_general3A_14 {offsets = [104, 0], sizes = [8, 1024], strides = [1, 1]} : vector<1024x1024xf32> to vector<8x1024xf32>
    %add3A_169 = arith.addf %add3A_167, %slice3A_168 : vector<8x1024xf32>
    %add3A_170 = arith.constant 104 : i32
    %add3A_171 = vector.broadcast %add3A_170 : i32 to vector<8x1024xi32>
    %add3A_172 = arith.addi %iota3A, %add3A_171 : vector<8x1024xi32>
    %lt3A_173 = arith.cmpf olt, %add3A_169, %select_n3A_162 : vector<8x1024xf32>
    %select_n3A_174 = arith.select %lt3A_173, %add3A_169, %select_n3A_162 : vector<8x1024xi1>, vector<8x1024xf32>
    %select_n3A_175 = arith.select %lt3A_173, %add3A_172, %select_n3A_163 : vector<8x1024xi1>, vector<8x1024xi32>
    %slice3A_176 = vector.extract_strided_slice %dot_general3A_9 {offsets = [112, 0], sizes = [8, 1], strides = [1, 1]} : vector<1024x1xf32> to vector<8x1xf32>
    %add3A_177 = vector.broadcast %dot_general3A_6 : vector<1x1024xf32> to vector<8x1024xf32>
    %add3A_178 = vector.broadcast %slice3A_176 : vector<8x1xf32> to vector<8x1024xf32>
    %add3A_179 = arith.addf %add3A_177, %add3A_178 : vector<8x1024xf32>
    %slice3A_180 = vector.extract_strided_slice %dot_general3A_14 {offsets = [112, 0], sizes = [8, 1024], strides = [1, 1]} : vector<1024x1024xf32> to vector<8x1024xf32>
    %add3A_181 = arith.addf %add3A_179, %slice3A_180 : vector<8x1024xf32>
    %add3A_182 = arith.constant 112 : i32
    %add3A_183 = vector.broadcast %add3A_182 : i32 to vector<8x1024xi32>
    %add3A_184 = arith.addi %iota3A, %add3A_183 : vector<8x1024xi32>
    %lt3A_185 = arith.cmpf olt, %add3A_181, %select_n3A_174 : vector<8x1024xf32>
    %select_n3A_186 = arith.select %lt3A_185, %add3A_181, %select_n3A_174 : vector<8x1024xi1>, vector<8x1024xf32>
    %select_n3A_187 = arith.select %lt3A_185, %add3A_184, %select_n3A_175 : vector<8x1024xi1>, vector<8x1024xi32>
    %slice3A_188 = vector.extract_strided_slice %dot_general3A_9 {offsets = [120, 0], sizes = [8, 1], strides = [1, 1]} : vector<1024x1xf32> to vector<8x1xf32>
    %add3A_189 = vector.broadcast %dot_general3A_6 : vector<1x1024xf32> to vector<8x1024xf32>
    %add3A_190 = vector.broadcast %slice3A_188 : vector<8x1xf32> to vector<8x1024xf32>
    %add3A_191 = arith.addf %add3A_189, %add3A_190 : vector<8x1024xf32>
    %slice3A_192 = vector.extract_strided_slice %dot_general3A_14 {offsets = [120, 0], sizes = [8, 1024], strides = [1, 1]} : vector<1024x1024xf32> to vector<8x1024xf32>
    %add3A_193 = arith.addf %add3A_191, %slice3A_192 : vector<8x1024xf32>
    %add3A_194 = arith.constant 120 : i32
    %add3A_195 = vector.broadcast %add3A_194 : i32 to vector<8x1024xi32>
    %add3A_196 = arith.addi %iota3A, %add3A_195 : vector<8x1024xi32>
    %lt3A_197 = arith.cmpf olt, %add3A_193, %select_n3A_186 : vector<8x1024xf32>
    %select_n3A_198 = arith.select %lt3A_197, %add3A_193, %select_n3A_186 : vector<8x1024xi1>, vector<8x1024xf32>
    %select_n3A_199 = arith.select %lt3A_197, %add3A_196, %select_n3A_187 : vector<8x1024xi1>, vector<8x1024xi32>
    %slice3A_200 = vector.extract_strided_slice %dot_general3A_9 {offsets = [128, 0], sizes = [8, 1], strides = [1, 1]} : vector<1024x1xf32> to vector<8x1xf32>
    %add3A_201 = vector.broadcast %dot_general3A_6 : vector<1x1024xf32> to vector<8x1024xf32>
    %add3A_202 = vector.broadcast %slice3A_200 : vector<8x1xf32> to vector<8x1024xf32>
    %add3A_203 = arith.addf %add3A_201, %add3A_202 : vector<8x1024xf32>
    %slice3A_204 = vector.extract_strided_slice %dot_general3A_14 {offsets = [128, 0], sizes = [8, 1024], strides = [1, 1]} : vector<1024x1024xf32> to vector<8x1024xf32>
    %add3A_205 = arith.addf %add3A_203, %slice3A_204 : vector<8x1024xf32>
    %add3A_206 = arith.constant 128 : i32
    %add3A_207 = vector.broadcast %add3A_206 : i32 to vector<8x1024xi32>
    %add3A_208 = arith.addi %iota3A, %add3A_207 : vector<8x1024xi32>
    %lt3A_209 = arith.cmpf olt, %add3A_205, %select_n3A_198 : vector<8x1024xf32>
    %select_n3A_210 = arith.select %lt3A_209, %add3A_205, %select_n3A_198 : vector<8x1024xi1>, vector<8x1024xf32>
    %select_n3A_211 = arith.select %lt3A_209, %add3A_208, %select_n3A_199 : vector<8x1024xi1>, vector<8x1024xi32>
    %slice3A_212 = vector.extract_strided_slice %dot_general3A_9 {offsets = [136, 0], sizes = [8, 1], strides = [1, 1]} : vector<1024x1xf32> to vector<8x1xf32>
    %add3A_213 = vector.broadcast %dot_general3A_6 : vector<1x1024xf32> to vector<8x1024xf32>
    %add3A_214 = vector.broadcast %slice3A_212 : vector<8x1xf32> to vector<8x1024xf32>
    %add3A_215 = arith.addf %add3A_213, %add3A_214 : vector<8x1024xf32>
    %slice3A_216 = vector.extract_strided_slice %dot_general3A_14 {offsets = [136, 0], sizes = [8, 1024], strides = [1, 1]} : vector<1024x1024xf32> to vector<8x1024xf32>
    %add3A_217 = arith.addf %add3A_215, %slice3A_216 : vector<8x1024xf32>
    %add3A_218 = arith.constant 136 : i32
    %add3A_219 = vector.broadcast %add3A_218 : i32 to vector<8x1024xi32>
    %add3A_220 = arith.addi %iota3A, %add3A_219 : vector<8x1024xi32>
    %lt3A_221 = arith.cmpf olt, %add3A_217, %select_n3A_210 : vector<8x1024xf32>
    %select_n3A_222 = arith.select %lt3A_221, %add3A_217, %select_n3A_210 : vector<8x1024xi1>, vector<8x1024xf32>
    %select_n3A_223 = arith.select %lt3A_221, %add3A_220, %select_n3A_211 : vector<8x1024xi1>, vector<8x1024xi32>
    %slice3A_224 = vector.extract_strided_slice %dot_general3A_9 {offsets = [144, 0], sizes = [8, 1], strides = [1, 1]} : vector<1024x1xf32> to vector<8x1xf32>
    %add3A_225 = vector.broadcast %dot_general3A_6 : vector<1x1024xf32> to vector<8x1024xf32>
    %add3A_226 = vector.broadcast %slice3A_224 : vector<8x1xf32> to vector<8x1024xf32>
    %add3A_227 = arith.addf %add3A_225, %add3A_226 : vector<8x1024xf32>
    %slice3A_228 = vector.extract_strided_slice %dot_general3A_14 {offsets = [144, 0], sizes = [8, 1024], strides = [1, 1]} : vector<1024x1024xf32> to vector<8x1024xf32>
    %add3A_229 = arith.addf %add3A_227, %slice3A_228 : vector<8x1024xf32>
    %add3A_230 = arith.constant 144 : i32
    %add3A_231 = vector.broadcast %add3A_230 : i32 to vector<8x1024xi32>
    %add3A_232 = arith.addi %iota3A, %add3A_231 : vector<8x1024xi32>
    %lt3A_233 = arith.cmpf olt, %add3A_229, %select_n3A_222 : vector<8x1024xf32>
    %select_n3A_234 = arith.select %lt3A_233, %add3A_229, %select_n3A_222 : vector<8x1024xi1>, vector<8x1024xf32>
    %select_n3A_235 = arith.select %lt3A_233, %add3A_232, %select_n3A_223 : vector<8x1024xi1>, vector<8x1024xi32>
    %slice3A_236 = vector.extract_strided_slice %dot_general3A_9 {offsets = [152, 0], sizes = [8, 1], strides = [1, 1]} : vector<1024x1xf32> to vector<8x1xf32>
    %add3A_237 = vector.broadcast %dot_general3A_6 : vector<1x1024xf32> to vector<8x1024xf32>
    %add3A_238 = vector.broadcast %slice3A_236 : vector<8x1xf32> to vector<8x1024xf32>
    %add3A_239 = arith.addf %add3A_237, %add3A_238 : vector<8x1024xf32>
    %slice3A_240 = vector.extract_strided_slice %dot_general3A_14 {offsets = [152, 0], sizes = [8, 1024], strides = [1, 1]} : vector<1024x1024xf32> to vector<8x1024xf32>
    %add3A_241 = arith.addf %add3A_239, %slice3A_240 : vector<8x1024xf32>
    %add3A_242 = arith.constant 152 : i32
    %add3A_243 = vector.broadcast %add3A_242 : i32 to vector<8x1024xi32>
    %add3A_244 = arith.addi %iota3A, %add3A_243 : vector<8x1024xi32>
    %lt3A_245 = arith.cmpf olt, %add3A_241, %select_n3A_234 : vector<8x1024xf32>
    %select_n3A_246 = arith.select %lt3A_245, %add3A_241, %select_n3A_234 : vector<8x1024xi1>, vector<8x1024xf32>
    %select_n3A_247 = arith.select %lt3A_245, %add3A_244, %select_n3A_235 : vector<8x1024xi1>, vector<8x1024xi32>
    %slice3A_248 = vector.extract_strided_slice %dot_general3A_9 {offsets = [160, 0], sizes = [8, 1], strides = [1, 1]} : vector<1024x1xf32> to vector<8x1xf32>
    %add3A_249 = vector.broadcast %dot_general3A_6 : vector<1x1024xf32> to vector<8x1024xf32>
    %add3A_250 = vector.broadcast %slice3A_248 : vector<8x1xf32> to vector<8x1024xf32>
    %add3A_251 = arith.addf %add3A_249, %add3A_250 : vector<8x1024xf32>
    %slice3A_252 = vector.extract_strided_slice %dot_general3A_14 {offsets = [160, 0], sizes = [8, 1024], strides = [1, 1]} : vector<1024x1024xf32> to vector<8x1024xf32>
    %add3A_253 = arith.addf %add3A_251, %slice3A_252 : vector<8x1024xf32>
    %add3A_254 = arith.constant 160 : i32
    %add3A_255 = vector.broadcast %add3A_254 : i32 to vector<8x1024xi32>
    %add3A_256 = arith.addi %iota3A, %add3A_255 : vector<8x1024xi32>
    %lt3A_257 = arith.cmpf olt, %add3A_253, %select_n3A_246 : vector<8x1024xf32>
    %select_n3A_258 = arith.select %lt3A_257, %add3A_253, %select_n3A_246 : vector<8x1024xi1>, vector<8x1024xf32>
    %select_n3A_259 = arith.select %lt3A_257, %add3A_256, %select_n3A_247 : vector<8x1024xi1>, vector<8x1024xi32>
    %slice3A_260 = vector.extract_strided_slice %dot_general3A_9 {offsets = [168, 0], sizes = [8, 1], strides = [1, 1]} : vector<1024x1xf32> to vector<8x1xf32>
    %add3A_261 = vector.broadcast %dot_general3A_6 : vector<1x1024xf32> to vector<8x1024xf32>
    %add3A_262 = vector.broadcast %slice3A_260 : vector<8x1xf32> to vector<8x1024xf32>
    %add3A_263 = arith.addf %add3A_261, %add3A_262 : vector<8x1024xf32>
    %slice3A_264 = vector.extract_strided_slice %dot_general3A_14 {offsets = [168, 0], sizes = [8, 1024], strides = [1, 1]} : vector<1024x1024xf32> to vector<8x1024xf32>
    %add3A_265 = arith.addf %add3A_263, %slice3A_264 : vector<8x1024xf32>
    %add3A_266 = arith.constant 168 : i32
    %add3A_267 = vector.broadcast %add3A_266 : i32 to vector<8x1024xi32>
    %add3A_268 = arith.addi %iota3A, %add3A_267 : vector<8x1024xi32>
    %lt3A_269 = arith.cmpf olt, %add3A_265, %select_n3A_258 : vector<8x1024xf32>
    %select_n3A_270 = arith.select %lt3A_269, %add3A_265, %select_n3A_258 : vector<8x1024xi1>, vector<8x1024xf32>
    %select_n3A_271 = arith.select %lt3A_269, %add3A_268, %select_n3A_259 : vector<8x1024xi1>, vector<8x1024xi32>
    %slice3A_272 = vector.extract_strided_slice %dot_general3A_9 {offsets = [176, 0], sizes = [8, 1], strides = [1, 1]} : vector<1024x1xf32> to vector<8x1xf32>
    %add3A_273 = vector.broadcast %dot_general3A_6 : vector<1x1024xf32> to vector<8x1024xf32>
    %add3A_274 = vector.broadcast %slice3A_272 : vector<8x1xf32> to vector<8x1024xf32>
    %add3A_275 = arith.addf %add3A_273, %add3A_274 : vector<8x1024xf32>
    %slice3A_276 = vector.extract_strided_slice %dot_general3A_14 {offsets = [176, 0], sizes = [8, 1024], strides = [1, 1]} : vector<1024x1024xf32> to vector<8x1024xf32>
    %add3A_277 = arith.addf %add3A_275, %slice3A_276 : vector<8x1024xf32>
    %add3A_278 = arith.constant 176 : i32
    %add3A_279 = vector.broadcast %add3A_278 : i32 to vector<8x1024xi32>
    %add3A_280 = arith.addi %iota3A, %add3A_279 : vector<8x1024xi32>
    %lt3A_281 = arith.cmpf olt, %add3A_277, %select_n3A_270 : vector<8x1024xf32>
    %select_n3A_282 = arith.select %lt3A_281, %add3A_277, %select_n3A_270 : vector<8x1024xi1>, vector<8x1024xf32>
    %select_n3A_283 = arith.select %lt3A_281, %add3A_280, %select_n3A_271 : vector<8x1024xi1>, vector<8x1024xi32>
    %slice3A_284 = vector.extract_strided_slice %dot_general3A_9 {offsets = [184, 0], sizes = [8, 1], strides = [1, 1]} : vector<1024x1xf32> to vector<8x1xf32>
    %add3A_285 = vector.broadcast %dot_general3A_6 : vector<1x1024xf32> to vector<8x1024xf32>
    %add3A_286 = vector.broadcast %slice3A_284 : vector<8x1xf32> to vector<8x1024xf32>
    %add3A_287 = arith.addf %add3A_285, %add3A_286 : vector<8x1024xf32>
    %slice3A_288 = vector.extract_strided_slice %dot_general3A_14 {offsets = [184, 0], sizes = [8, 1024], strides = [1, 1]} : vector<1024x1024xf32> to vector<8x1024xf32>
    %add3A_289 = arith.addf %add3A_287, %slice3A_288 : vector<8x1024xf32>
    %add3A_290 = arith.constant 184 : i32
    %add3A_291 = vector.broadcast %add3A_290 : i32 to vector<8x1024xi32>
    %add3A_292 = arith.addi %iota3A, %add3A_291 : vector<8x1024xi32>
    %lt3A_293 = arith.cmpf olt, %add3A_289, %select_n3A_282 : vector<8x1024xf32>
    %select_n3A_294 = arith.select %lt3A_293, %add3A_289, %select_n3A_282 : vector<8x1024xi1>, vector<8x1024xf32>
    %select_n3A_295 = arith.select %lt3A_293, %add3A_292, %select_n3A_283 : vector<8x1024xi1>, vector<8x1024xi32>
    %slice3A_296 = vector.extract_strided_slice %dot_general3A_9 {offsets = [192, 0], sizes = [8, 1], strides = [1, 1]} : vector<1024x1xf32> to vector<8x1xf32>
    %add3A_297 = vector.broadcast %dot_general3A_6 : vector<1x1024xf32> to vector<8x1024xf32>
    %add3A_298 = vector.broadcast %slice3A_296 : vector<8x1xf32> to vector<8x1024xf32>
    %add3A_299 = arith.addf %add3A_297, %add3A_298 : vector<8x1024xf32>
    %slice3A_300 = vector.extract_strided_slice %dot_general3A_14 {offsets = [192, 0], sizes = [8, 1024], strides = [1, 1]} : vector<1024x1024xf32> to vector<8x1024xf32>
    %add3A_301 = arith.addf %add3A_299, %slice3A_300 : vector<8x1024xf32>
    %add3A_302 = arith.constant 192 : i32
    %add3A_303 = vector.broadcast %add3A_302 : i32 to vector<8x1024xi32>
    %add3A_304 = arith.addi %iota3A, %add3A_303 : vector<8x1024xi32>
    %lt3A_305 = arith.cmpf olt, %add3A_301, %select_n3A_294 : vector<8x1024xf32>
    %select_n3A_306 = arith.select %lt3A_305, %add3A_301, %select_n3A_294 : vector<8x1024xi1>, vector<8x1024xf32>
    %select_n3A_307 = arith.select %lt3A_305, %add3A_304, %select_n3A_295 : vector<8x1024xi1>, vector<8x1024xi32>
    %slice3A_308 = vector.extract_strided_slice %dot_general3A_9 {offsets = [200, 0], sizes = [8, 1], strides = [1, 1]} : vector<1024x1xf32> to vector<8x1xf32>
    %add3A_309 = vector.broadcast %dot_general3A_6 : vector<1x1024xf32> to vector<8x1024xf32>
    %add3A_310 = vector.broadcast %slice3A_308 : vector<8x1xf32> to vector<8x1024xf32>
    %add3A_311 = arith.addf %add3A_309, %add3A_310 : vector<8x1024xf32>
    %slice3A_312 = vector.extract_strided_slice %dot_general3A_14 {offsets = [200, 0], sizes = [8, 1024], strides = [1, 1]} : vector<1024x1024xf32> to vector<8x1024xf32>
    %add3A_313 = arith.addf %add3A_311, %slice3A_312 : vector<8x1024xf32>
    %add3A_314 = arith.constant 200 : i32
    %add3A_315 = vector.broadcast %add3A_314 : i32 to vector<8x1024xi32>
    %add3A_316 = arith.addi %iota3A, %add3A_315 : vector<8x1024xi32>
    %lt3A_317 = arith.cmpf olt, %add3A_313, %select_n3A_306 : vector<8x1024xf32>
    %select_n3A_318 = arith.select %lt3A_317, %add3A_313, %select_n3A_306 : vector<8x1024xi1>, vector<8x1024xf32>
    %select_n3A_319 = arith.select %lt3A_317, %add3A_316, %select_n3A_307 : vector<8x1024xi1>, vector<8x1024xi32>
    %slice3A_320 = vector.extract_strided_slice %dot_general3A_9 {offsets = [208, 0], sizes = [8, 1], strides = [1, 1]} : vector<1024x1xf32> to vector<8x1xf32>
    %add3A_321 = vector.broadcast %dot_general3A_6 : vector<1x1024xf32> to vector<8x1024xf32>
    %add3A_322 = vector.broadcast %slice3A_320 : vector<8x1xf32> to vector<8x1024xf32>
    %add3A_323 = arith.addf %add3A_321, %add3A_322 : vector<8x1024xf32>
    %slice3A_324 = vector.extract_strided_slice %dot_general3A_14 {offsets = [208, 0], sizes = [8, 1024], strides = [1, 1]} : vector<1024x1024xf32> to vector<8x1024xf32>
    %add3A_325 = arith.addf %add3A_323, %slice3A_324 : vector<8x1024xf32>
    %add3A_326 = arith.constant 208 : i32
    %add3A_327 = vector.broadcast %add3A_326 : i32 to vector<8x1024xi32>
    %add3A_328 = arith.addi %iota3A, %add3A_327 : vector<8x1024xi32>
    %lt3A_329 = arith.cmpf olt, %add3A_325, %select_n3A_318 : vector<8x1024xf32>
    %select_n3A_330 = arith.select %lt3A_329, %add3A_325, %select_n3A_318 : vector<8x1024xi1>, vector<8x1024xf32>
    %select_n3A_331 = arith.select %lt3A_329, %add3A_328, %select_n3A_319 : vector<8x1024xi1>, vector<8x1024xi32>
    %slice3A_332 = vector.extract_strided_slice %dot_general3A_9 {offsets = [216, 0], sizes = [8, 1], strides = [1, 1]} : vector<1024x1xf32> to vector<8x1xf32>
    %add3A_333 = vector.broadcast %dot_general3A_6 : vector<1x1024xf32> to vector<8x1024xf32>
    %add3A_334 = vector.broadcast %slice3A_332 : vector<8x1xf32> to vector<8x1024xf32>
    %add3A_335 = arith.addf %add3A_333, %add3A_334 : vector<8x1024xf32>
    %slice3A_336 = vector.extract_strided_slice %dot_general3A_14 {offsets = [216, 0], sizes = [8, 1024], strides = [1, 1]} : vector<1024x1024xf32> to vector<8x1024xf32>
    %add3A_337 = arith.addf %add3A_335, %slice3A_336 : vector<8x1024xf32>
    %add3A_338 = arith.constant 216 : i32
    %add3A_339 = vector.broadcast %add3A_338 : i32 to vector<8x1024xi32>
    %add3A_340 = arith.addi %iota3A, %add3A_339 : vector<8x1024xi32>
    %lt3A_341 = arith.cmpf olt, %add3A_337, %select_n3A_330 : vector<8x1024xf32>
    %select_n3A_342 = arith.select %lt3A_341, %add3A_337, %select_n3A_330 : vector<8x1024xi1>, vector<8x1024xf32>
    %select_n3A_343 = arith.select %lt3A_341, %add3A_340, %select_n3A_331 : vector<8x1024xi1>, vector<8x1024xi32>
    %slice3A_344 = vector.extract_strided_slice %dot_general3A_9 {offsets = [224, 0], sizes = [8, 1], strides = [1, 1]} : vector<1024x1xf32> to vector<8x1xf32>
    %add3A_345 = vector.broadcast %dot_general3A_6 : vector<1x1024xf32> to vector<8x1024xf32>
    %add3A_346 = vector.broadcast %slice3A_344 : vector<8x1xf32> to vector<8x1024xf32>
    %add3A_347 = arith.addf %add3A_345, %add3A_346 : vector<8x1024xf32>
    %slice3A_348 = vector.extract_strided_slice %dot_general3A_14 {offsets = [224, 0], sizes = [8, 1024], strides = [1, 1]} : vector<1024x1024xf32> to vector<8x1024xf32>
    %add3A_349 = arith.addf %add3A_347, %slice3A_348 : vector<8x1024xf32>
    %add3A_350 = arith.constant 224 : i32
    %add3A_351 = vector.broadcast %add3A_350 : i32 to vector<8x1024xi32>
    %add3A_352 = arith.addi %iota3A, %add3A_351 : vector<8x1024xi32>
    %lt3A_353 = arith.cmpf olt, %add3A_349, %select_n3A_342 : vector<8x1024xf32>
    %select_n3A_354 = arith.select %lt3A_353, %add3A_349, %select_n3A_342 : vector<8x1024xi1>, vector<8x1024xf32>
    %select_n3A_355 = arith.select %lt3A_353, %add3A_352, %select_n3A_343 : vector<8x1024xi1>, vector<8x1024xi32>
    %slice3A_356 = vector.extract_strided_slice %dot_general3A_9 {offsets = [232, 0], sizes = [8, 1], strides = [1, 1]} : vector<1024x1xf32> to vector<8x1xf32>
    %add3A_357 = vector.broadcast %dot_general3A_6 : vector<1x1024xf32> to vector<8x1024xf32>
    %add3A_358 = vector.broadcast %slice3A_356 : vector<8x1xf32> to vector<8x1024xf32>
    %add3A_359 = arith.addf %add3A_357, %add3A_358 : vector<8x1024xf32>
    %slice3A_360 = vector.extract_strided_slice %dot_general3A_14 {offsets = [232, 0], sizes = [8, 1024], strides = [1, 1]} : vector<1024x1024xf32> to vector<8x1024xf32>
    %add3A_361 = arith.addf %add3A_359, %slice3A_360 : vector<8x1024xf32>
    %add3A_362 = arith.constant 232 : i32
    %add3A_363 = vector.broadcast %add3A_362 : i32 to vector<8x1024xi32>
    %add3A_364 = arith.addi %iota3A, %add3A_363 : vector<8x1024xi32>
    %lt3A_365 = arith.cmpf olt, %add3A_361, %select_n3A_354 : vector<8x1024xf32>
    %select_n3A_366 = arith.select %lt3A_365, %add3A_361, %select_n3A_354 : vector<8x1024xi1>, vector<8x1024xf32>
    %select_n3A_367 = arith.select %lt3A_365, %add3A_364, %select_n3A_355 : vector<8x1024xi1>, vector<8x1024xi32>
    %slice3A_368 = vector.extract_strided_slice %dot_general3A_9 {offsets = [240, 0], sizes = [8, 1], strides = [1, 1]} : vector<1024x1xf32> to vector<8x1xf32>
    %add3A_369 = vector.broadcast %dot_general3A_6 : vector<1x1024xf32> to vector<8x1024xf32>
    %add3A_370 = vector.broadcast %slice3A_368 : vector<8x1xf32> to vector<8x1024xf32>
    %add3A_371 = arith.addf %add3A_369, %add3A_370 : vector<8x1024xf32>
    %slice3A_372 = vector.extract_strided_slice %dot_general3A_14 {offsets = [240, 0], sizes = [8, 1024], strides = [1, 1]} : vector<1024x1024xf32> to vector<8x1024xf32>
    %add3A_373 = arith.addf %add3A_371, %slice3A_372 : vector<8x1024xf32>
    %add3A_374 = arith.constant 240 : i32
    %add3A_375 = vector.broadcast %add3A_374 : i32 to vector<8x1024xi32>
    %add3A_376 = arith.addi %iota3A, %add3A_375 : vector<8x1024xi32>
    %lt3A_377 = arith.cmpf olt, %add3A_373, %select_n3A_366 : vector<8x1024xf32>
    %select_n3A_378 = arith.select %lt3A_377, %add3A_373, %select_n3A_366 : vector<8x1024xi1>, vector<8x1024xf32>
    %select_n3A_379 = arith.select %lt3A_377, %add3A_376, %select_n3A_367 : vector<8x1024xi1>, vector<8x1024xi32>
    %slice3A_380 = vector.extract_strided_slice %dot_general3A_9 {offsets = [248, 0], sizes = [8, 1], strides = [1, 1]} : vector<1024x1xf32> to vector<8x1xf32>
    %add3A_381 = vector.broadcast %dot_general3A_6 : vector<1x1024xf32> to vector<8x1024xf32>
    %add3A_382 = vector.broadcast %slice3A_380 : vector<8x1xf32> to vector<8x1024xf32>
    %add3A_383 = arith.addf %add3A_381, %add3A_382 : vector<8x1024xf32>
    %slice3A_384 = vector.extract_strided_slice %dot_general3A_14 {offsets = [248, 0], sizes = [8, 1024], strides = [1, 1]} : vector<1024x1024xf32> to vector<8x1024xf32>
    %add3A_385 = arith.addf %add3A_383, %slice3A_384 : vector<8x1024xf32>
    %add3A_386 = arith.constant 248 : i32
    %add3A_387 = vector.broadcast %add3A_386 : i32 to vector<8x1024xi32>
    %add3A_388 = arith.addi %iota3A, %add3A_387 : vector<8x1024xi32>
    %lt3A_389 = arith.cmpf olt, %add3A_385, %select_n3A_378 : vector<8x1024xf32>
    %select_n3A_390 = arith.select %lt3A_389, %add3A_385, %select_n3A_378 : vector<8x1024xi1>, vector<8x1024xf32>
    %select_n3A_391 = arith.select %lt3A_389, %add3A_388, %select_n3A_379 : vector<8x1024xi1>, vector<8x1024xi32>
    %slice3A_392 = vector.extract_strided_slice %dot_general3A_9 {offsets = [256, 0], sizes = [8, 1], strides = [1, 1]} : vector<1024x1xf32> to vector<8x1xf32>
    %add3A_393 = vector.broadcast %dot_general3A_6 : vector<1x1024xf32> to vector<8x1024xf32>
    %add3A_394 = vector.broadcast %slice3A_392 : vector<8x1xf32> to vector<8x1024xf32>
    %add3A_395 = arith.addf %add3A_393, %add3A_394 : vector<8x1024xf32>
    %slice3A_396 = vector.extract_strided_slice %dot_general3A_14 {offsets = [256, 0], sizes = [8, 1024], strides = [1, 1]} : vector<1024x1024xf32> to vector<8x1024xf32>
    %add3A_397 = arith.addf %add3A_395, %slice3A_396 : vector<8x1024xf32>
    %add3A_398 = arith.constant 256 : i32
    %add3A_399 = vector.broadcast %add3A_398 : i32 to vector<8x1024xi32>
    %add3A_400 = arith.addi %iota3A, %add3A_399 : vector<8x1024xi32>
    %lt3A_401 = arith.cmpf olt, %add3A_397, %select_n3A_390 : vector<8x1024xf32>
    %select_n3A_402 = arith.select %lt3A_401, %add3A_397, %select_n3A_390 : vector<8x1024xi1>, vector<8x1024xf32>
    %select_n3A_403 = arith.select %lt3A_401, %add3A_400, %select_n3A_391 : vector<8x1024xi1>, vector<8x1024xi32>
    %slice3A_404 = vector.extract_strided_slice %dot_general3A_9 {offsets = [264, 0], sizes = [8, 1], strides = [1, 1]} : vector<1024x1xf32> to vector<8x1xf32>
    %add3A_405 = vector.broadcast %dot_general3A_6 : vector<1x1024xf32> to vector<8x1024xf32>
    %add3A_406 = vector.broadcast %slice3A_404 : vector<8x1xf32> to vector<8x1024xf32>
    %add3A_407 = arith.addf %add3A_405, %add3A_406 : vector<8x1024xf32>
    %slice3A_408 = vector.extract_strided_slice %dot_general3A_14 {offsets = [264, 0], sizes = [8, 1024], strides = [1, 1]} : vector<1024x1024xf32> to vector<8x1024xf32>
    %add3A_409 = arith.addf %add3A_407, %slice3A_408 : vector<8x1024xf32>
    %add3A_410 = arith.constant 264 : i32
    %add3A_411 = vector.broadcast %add3A_410 : i32 to vector<8x1024xi32>
    %add3A_412 = arith.addi %iota3A, %add3A_411 : vector<8x1024xi32>
    %lt3A_413 = arith.cmpf olt, %add3A_409, %select_n3A_402 : vector<8x1024xf32>
    %select_n3A_414 = arith.select %lt3A_413, %add3A_409, %select_n3A_402 : vector<8x1024xi1>, vector<8x1024xf32>
    %select_n3A_415 = arith.select %lt3A_413, %add3A_412, %select_n3A_403 : vector<8x1024xi1>, vector<8x1024xi32>
    %slice3A_416 = vector.extract_strided_slice %dot_general3A_9 {offsets = [272, 0], sizes = [8, 1], strides = [1, 1]} : vector<1024x1xf32> to vector<8x1xf32>
    %add3A_417 = vector.broadcast %dot_general3A_6 : vector<1x1024xf32> to vector<8x1024xf32>
    %add3A_418 = vector.broadcast %slice3A_416 : vector<8x1xf32> to vector<8x1024xf32>
    %add3A_419 = arith.addf %add3A_417, %add3A_418 : vector<8x1024xf32>
    %slice3A_420 = vector.extract_strided_slice %dot_general3A_14 {offsets = [272, 0], sizes = [8, 1024], strides = [1, 1]} : vector<1024x1024xf32> to vector<8x1024xf32>
    %add3A_421 = arith.addf %add3A_419, %slice3A_420 : vector<8x1024xf32>
    %add3A_422 = arith.constant 272 : i32
    %add3A_423 = vector.broadcast %add3A_422 : i32 to vector<8x1024xi32>
    %add3A_424 = arith.addi %iota3A, %add3A_423 : vector<8x1024xi32>
    %lt3A_425 = arith.cmpf olt, %add3A_421, %select_n3A_414 : vector<8x1024xf32>
    %select_n3A_426 = arith.select %lt3A_425, %add3A_421, %select_n3A_414 : vector<8x1024xi1>, vector<8x1024xf32>
    %select_n3A_427 = arith.select %lt3A_425, %add3A_424, %select_n3A_415 : vector<8x1024xi1>, vector<8x1024xi32>
    %slice3A_428 = vector.extract_strided_slice %dot_general3A_9 {offsets = [280, 0], sizes = [8, 1], strides = [1, 1]} : vector<1024x1xf32> to vector<8x1xf32>
    %add3A_429 = vector.broadcast %dot_general3A_6 : vector<1x1024xf32> to vector<8x1024xf32>
    %add3A_430 = vector.broadcast %slice3A_428 : vector<8x1xf32> to vector<8x1024xf32>
    %add3A_431 = arith.addf %add3A_429, %add3A_430 : vector<8x1024xf32>
    %slice3A_432 = vector.extract_strided_slice %dot_general3A_14 {offsets = [280, 0], sizes = [8, 1024], strides = [1, 1]} : vector<1024x1024xf32> to vector<8x1024xf32>
    %add3A_433 = arith.addf %add3A_431, %slice3A_432 : vector<8x1024xf32>
    %add3A_434 = arith.constant 280 : i32
    %add3A_435 = vector.broadcast %add3A_434 : i32 to vector<8x1024xi32>
    %add3A_436 = arith.addi %iota3A, %add3A_435 : vector<8x1024xi32>
    %lt3A_437 = arith.cmpf olt, %add3A_433, %select_n3A_426 : vector<8x1024xf32>
    %select_n3A_438 = arith.select %lt3A_437, %add3A_433, %select_n3A_426 : vector<8x1024xi1>, vector<8x1024xf32>
    %select_n3A_439 = arith.select %lt3A_437, %add3A_436, %select_n3A_427 : vector<8x1024xi1>, vector<8x1024xi32>
    %slice3A_440 = vector.extract_strided_slice %dot_general3A_9 {offsets = [288, 0], sizes = [8, 1], strides = [1, 1]} : vector<1024x1xf32> to vector<8x1xf32>
    %add3A_441 = vector.broadcast %dot_general3A_6 : vector<1x1024xf32> to vector<8x1024xf32>
    %add3A_442 = vector.broadcast %slice3A_440 : vector<8x1xf32> to vector<8x1024xf32>
    %add3A_443 = arith.addf %add3A_441, %add3A_442 : vector<8x1024xf32>
    %slice3A_444 = vector.extract_strided_slice %dot_general3A_14 {offsets = [288, 0], sizes = [8, 1024], strides = [1, 1]} : vector<1024x1024xf32> to vector<8x1024xf32>
    %add3A_445 = arith.addf %add3A_443, %slice3A_444 : vector<8x1024xf32>
    %add3A_446 = arith.constant 288 : i32
    %add3A_447 = vector.broadcast %add3A_446 : i32 to vector<8x1024xi32>
    %add3A_448 = arith.addi %iota3A, %add3A_447 : vector<8x1024xi32>
    %lt3A_449 = arith.cmpf olt, %add3A_445, %select_n3A_438 : vector<8x1024xf32>
    %select_n3A_450 = arith.select %lt3A_449, %add3A_445, %select_n3A_438 : vector<8x1024xi1>, vector<8x1024xf32>
    %select_n3A_451 = arith.select %lt3A_449, %add3A_448, %select_n3A_439 : vector<8x1024xi1>, vector<8x1024xi32>
    %slice3A_452 = vector.extract_strided_slice %dot_general3A_9 {offsets = [296, 0], sizes = [8, 1], strides = [1, 1]} : vector<1024x1xf32> to vector<8x1xf32>
    %add3A_453 = vector.broadcast %dot_general3A_6 : vector<1x1024xf32> to vector<8x1024xf32>
    %add3A_454 = vector.broadcast %slice3A_452 : vector<8x1xf32> to vector<8x1024xf32>
    %add3A_455 = arith.addf %add3A_453, %add3A_454 : vector<8x1024xf32>
    %slice3A_456 = vector.extract_strided_slice %dot_general3A_14 {offsets = [296, 0], sizes = [8, 1024], strides = [1, 1]} : vector<1024x1024xf32> to vector<8x1024xf32>
    %add3A_457 = arith.addf %add3A_455, %slice3A_456 : vector<8x1024xf32>
    %add3A_458 = arith.constant 296 : i32
    %add3A_459 = vector.broadcast %add3A_458 : i32 to vector<8x1024xi32>
    %add3A_460 = arith.addi %iota3A, %add3A_459 : vector<8x1024xi32>
    %lt3A_461 = arith.cmpf olt, %add3A_457, %select_n3A_450 : vector<8x1024xf32>
    %select_n3A_462 = arith.select %lt3A_461, %add3A_457, %select_n3A_450 : vector<8x1024xi1>, vector<8x1024xf32>
    %select_n3A_463 = arith.select %lt3A_461, %add3A_460, %select_n3A_451 : vector<8x1024xi1>, vector<8x1024xi32>
    %slice3A_464 = vector.extract_strided_slice %dot_general3A_9 {offsets = [304, 0], sizes = [8, 1], strides = [1, 1]} : vector<1024x1xf32> to vector<8x1xf32>
    %add3A_465 = vector.broadcast %dot_general3A_6 : vector<1x1024xf32> to vector<8x1024xf32>
    %add3A_466 = vector.broadcast %slice3A_464 : vector<8x1xf32> to vector<8x1024xf32>
    %add3A_467 = arith.addf %add3A_465, %add3A_466 : vector<8x1024xf32>
    %slice3A_468 = vector.extract_strided_slice %dot_general3A_14 {offsets = [304, 0], sizes = [8, 1024], strides = [1, 1]} : vector<1024x1024xf32> to vector<8x1024xf32>
    %add3A_469 = arith.addf %add3A_467, %slice3A_468 : vector<8x1024xf32>
    %add3A_470 = arith.constant 304 : i32
    %add3A_471 = vector.broadcast %add3A_470 : i32 to vector<8x1024xi32>
    %add3A_472 = arith.addi %iota3A, %add3A_471 : vector<8x1024xi32>
    %lt3A_473 = arith.cmpf olt, %add3A_469, %select_n3A_462 : vector<8x1024xf32>
    %select_n3A_474 = arith.select %lt3A_473, %add3A_469, %select_n3A_462 : vector<8x1024xi1>, vector<8x1024xf32>
    %select_n3A_475 = arith.select %lt3A_473, %add3A_472, %select_n3A_463 : vector<8x1024xi1>, vector<8x1024xi32>
    %slice3A_476 = vector.extract_strided_slice %dot_general3A_9 {offsets = [312, 0], sizes = [8, 1], strides = [1, 1]} : vector<1024x1xf32> to vector<8x1xf32>
    %add3A_477 = vector.broadcast %dot_general3A_6 : vector<1x1024xf32> to vector<8x1024xf32>
    %add3A_478 = vector.broadcast %slice3A_476 : vector<8x1xf32> to vector<8x1024xf32>
    %add3A_479 = arith.addf %add3A_477, %add3A_478 : vector<8x1024xf32>
    %slice3A_480 = vector.extract_strided_slice %dot_general3A_14 {offsets = [312, 0], sizes = [8, 1024], strides = [1, 1]} : vector<1024x1024xf32> to vector<8x1024xf32>
    %add3A_481 = arith.addf %add3A_479, %slice3A_480 : vector<8x1024xf32>
    %add3A_482 = arith.constant 312 : i32
    %add3A_483 = vector.broadcast %add3A_482 : i32 to vector<8x1024xi32>
    %add3A_484 = arith.addi %iota3A, %add3A_483 : vector<8x1024xi32>
    %lt3A_485 = arith.cmpf olt, %add3A_481, %select_n3A_474 : vector<8x1024xf32>
    %select_n3A_486 = arith.select %lt3A_485, %add3A_481, %select_n3A_474 : vector<8x1024xi1>, vector<8x1024xf32>
    %select_n3A_487 = arith.select %lt3A_485, %add3A_484, %select_n3A_475 : vector<8x1024xi1>, vector<8x1024xi32>
    %slice3A_488 = vector.extract_strided_slice %dot_general3A_9 {offsets = [320, 0], sizes = [8, 1], strides = [1, 1]} : vector<1024x1xf32> to vector<8x1xf32>
    %add3A_489 = vector.broadcast %dot_general3A_6 : vector<1x1024xf32> to vector<8x1024xf32>
    %add3A_490 = vector.broadcast %slice3A_488 : vector<8x1xf32> to vector<8x1024xf32>
    %add3A_491 = arith.addf %add3A_489, %add3A_490 : vector<8x1024xf32>
    %slice3A_492 = vector.extract_strided_slice %dot_general3A_14 {offsets = [320, 0], sizes = [8, 1024], strides = [1, 1]} : vector<1024x1024xf32> to vector<8x1024xf32>
    %add3A_493 = arith.addf %add3A_491, %slice3A_492 : vector<8x1024xf32>
    %add3A_494 = arith.constant 320 : i32
    %add3A_495 = vector.broadcast %add3A_494 : i32 to vector<8x1024xi32>
    %add3A_496 = arith.addi %iota3A, %add3A_495 : vector<8x1024xi32>
    %lt3A_497 = arith.cmpf olt, %add3A_493, %select_n3A_486 : vector<8x1024xf32>
    %select_n3A_498 = arith.select %lt3A_497, %add3A_493, %select_n3A_486 : vector<8x1024xi1>, vector<8x1024xf32>
    %select_n3A_499 = arith.select %lt3A_497, %add3A_496, %select_n3A_487 : vector<8x1024xi1>, vector<8x1024xi32>
    %slice3A_500 = vector.extract_strided_slice %dot_general3A_9 {offsets = [328, 0], sizes = [8, 1], strides = [1, 1]} : vector<1024x1xf32> to vector<8x1xf32>
    %add3A_501 = vector.broadcast %dot_general3A_6 : vector<1x1024xf32> to vector<8x1024xf32>
    %add3A_502 = vector.broadcast %slice3A_500 : vector<8x1xf32> to vector<8x1024xf32>
    %add3A_503 = arith.addf %add3A_501, %add3A_502 : vector<8x1024xf32>
    %slice3A_504 = vector.extract_strided_slice %dot_general3A_14 {offsets = [328, 0], sizes = [8, 1024], strides = [1, 1]} : vector<1024x1024xf32> to vector<8x1024xf32>
    %add3A_505 = arith.addf %add3A_503, %slice3A_504 : vector<8x1024xf32>
    %add3A_506 = arith.constant 328 : i32
    %add3A_507 = vector.broadcast %add3A_506 : i32 to vector<8x1024xi32>
    %add3A_508 = arith.addi %iota3A, %add3A_507 : vector<8x1024xi32>
    %lt3A_509 = arith.cmpf olt, %add3A_505, %select_n3A_498 : vector<8x1024xf32>
    %select_n3A_510 = arith.select %lt3A_509, %add3A_505, %select_n3A_498 : vector<8x1024xi1>, vector<8x1024xf32>
    %select_n3A_511 = arith.select %lt3A_509, %add3A_508, %select_n3A_499 : vector<8x1024xi1>, vector<8x1024xi32>
    %slice3A_512 = vector.extract_strided_slice %dot_general3A_9 {offsets = [336, 0], sizes = [8, 1], strides = [1, 1]} : vector<1024x1xf32> to vector<8x1xf32>
    %add3A_513 = vector.broadcast %dot_general3A_6 : vector<1x1024xf32> to vector<8x1024xf32>
    %add3A_514 = vector.broadcast %slice3A_512 : vector<8x1xf32> to vector<8x1024xf32>
    %add3A_515 = arith.addf %add3A_513, %add3A_514 : vector<8x1024xf32>
    %slice3A_516 = vector.extract_strided_slice %dot_general3A_14 {offsets = [336, 0], sizes = [8, 1024], strides = [1, 1]} : vector<1024x1024xf32> to vector<8x1024xf32>
    %add3A_517 = arith.addf %add3A_515, %slice3A_516 : vector<8x1024xf32>
    %add3A_518 = arith.constant 336 : i32
    %add3A_519 = vector.broadcast %add3A_518 : i32 to vector<8x1024xi32>
    %add3A_520 = arith.addi %iota3A, %add3A_519 : vector<8x1024xi32>
    %lt3A_521 = arith.cmpf olt, %add3A_517, %select_n3A_510 : vector<8x1024xf32>
    %select_n3A_522 = arith.select %lt3A_521, %add3A_517, %select_n3A_510 : vector<8x1024xi1>, vector<8x1024xf32>
    %select_n3A_523 = arith.select %lt3A_521, %add3A_520, %select_n3A_511 : vector<8x1024xi1>, vector<8x1024xi32>
    %slice3A_524 = vector.extract_strided_slice %dot_general3A_9 {offsets = [344, 0], sizes = [8, 1], strides = [1, 1]} : vector<1024x1xf32> to vector<8x1xf32>
    %add3A_525 = vector.broadcast %dot_general3A_6 : vector<1x1024xf32> to vector<8x1024xf32>
    %add3A_526 = vector.broadcast %slice3A_524 : vector<8x1xf32> to vector<8x1024xf32>
    %add3A_527 = arith.addf %add3A_525, %add3A_526 : vector<8x1024xf32>
    %slice3A_528 = vector.extract_strided_slice %dot_general3A_14 {offsets = [344, 0], sizes = [8, 1024], strides = [1, 1]} : vector<1024x1024xf32> to vector<8x1024xf32>
    %add3A_529 = arith.addf %add3A_527, %slice3A_528 : vector<8x1024xf32>
    %add3A_530 = arith.constant 344 : i32
    %add3A_531 = vector.broadcast %add3A_530 : i32 to vector<8x1024xi32>
    %add3A_532 = arith.addi %iota3A, %add3A_531 : vector<8x1024xi32>
    %lt3A_533 = arith.cmpf olt, %add3A_529, %select_n3A_522 : vector<8x1024xf32>
    %select_n3A_534 = arith.select %lt3A_533, %add3A_529, %select_n3A_522 : vector<8x1024xi1>, vector<8x1024xf32>
    %select_n3A_535 = arith.select %lt3A_533, %add3A_532, %select_n3A_523 : vector<8x1024xi1>, vector<8x1024xi32>
    %slice3A_536 = vector.extract_strided_slice %dot_general3A_9 {offsets = [352, 0], sizes = [8, 1], strides = [1, 1]} : vector<1024x1xf32> to vector<8x1xf32>
    %add3A_537 = vector.broadcast %dot_general3A_6 : vector<1x1024xf32> to vector<8x1024xf32>
    %add3A_538 = vector.broadcast %slice3A_536 : vector<8x1xf32> to vector<8x1024xf32>
    %add3A_539 = arith.addf %add3A_537, %add3A_538 : vector<8x1024xf32>
    %slice3A_540 = vector.extract_strided_slice %dot_general3A_14 {offsets = [352, 0], sizes = [8, 1024], strides = [1, 1]} : vector<1024x1024xf32> to vector<8x1024xf32>
    %add3A_541 = arith.addf %add3A_539, %slice3A_540 : vector<8x1024xf32>
    %add3A_542 = arith.constant 352 : i32
    %add3A_543 = vector.broadcast %add3A_542 : i32 to vector<8x1024xi32>
    %add3A_544 = arith.addi %iota3A, %add3A_543 : vector<8x1024xi32>
    %lt3A_545 = arith.cmpf olt, %add3A_541, %select_n3A_534 : vector<8x1024xf32>
    %select_n3A_546 = arith.select %lt3A_545, %add3A_541, %select_n3A_534 : vector<8x1024xi1>, vector<8x1024xf32>
    %select_n3A_547 = arith.select %lt3A_545, %add3A_544, %select_n3A_535 : vector<8x1024xi1>, vector<8x1024xi32>
    %slice3A_548 = vector.extract_strided_slice %dot_general3A_9 {offsets = [360, 0], sizes = [8, 1], strides = [1, 1]} : vector<1024x1xf32> to vector<8x1xf32>
    %add3A_549 = vector.broadcast %dot_general3A_6 : vector<1x1024xf32> to vector<8x1024xf32>
    %add3A_550 = vector.broadcast %slice3A_548 : vector<8x1xf32> to vector<8x1024xf32>
    %add3A_551 = arith.addf %add3A_549, %add3A_550 : vector<8x1024xf32>
    %slice3A_552 = vector.extract_strided_slice %dot_general3A_14 {offsets = [360, 0], sizes = [8, 1024], strides = [1, 1]} : vector<1024x1024xf32> to vector<8x1024xf32>
    %add3A_553 = arith.addf %add3A_551, %slice3A_552 : vector<8x1024xf32>
    %add3A_554 = arith.constant 360 : i32
    %add3A_555 = vector.broadcast %add3A_554 : i32 to vector<8x1024xi32>
    %add3A_556 = arith.addi %iota3A, %add3A_555 : vector<8x1024xi32>
    %lt3A_557 = arith.cmpf olt, %add3A_553, %select_n3A_546 : vector<8x1024xf32>
    %select_n3A_558 = arith.select %lt3A_557, %add3A_553, %select_n3A_546 : vector<8x1024xi1>, vector<8x1024xf32>
    %select_n3A_559 = arith.select %lt3A_557, %add3A_556, %select_n3A_547 : vector<8x1024xi1>, vector<8x1024xi32>
    %slice3A_560 = vector.extract_strided_slice %dot_general3A_9 {offsets = [368, 0], sizes = [8, 1], strides = [1, 1]} : vector<1024x1xf32> to vector<8x1xf32>
    %add3A_561 = vector.broadcast %dot_general3A_6 : vector<1x1024xf32> to vector<8x1024xf32>
    %add3A_562 = vector.broadcast %slice3A_560 : vector<8x1xf32> to vector<8x1024xf32>
    %add3A_563 = arith.addf %add3A_561, %add3A_562 : vector<8x1024xf32>
    %slice3A_564 = vector.extract_strided_slice %dot_general3A_14 {offsets = [368, 0], sizes = [8, 1024], strides = [1, 1]} : vector<1024x1024xf32> to vector<8x1024xf32>
    %add3A_565 = arith.addf %add3A_563, %slice3A_564 : vector<8x1024xf32>
    %add3A_566 = arith.constant 368 : i32
    %add3A_567 = vector.broadcast %add3A_566 : i32 to vector<8x1024xi32>
    %add3A_568 = arith.addi %iota3A, %add3A_567 : vector<8x1024xi32>
    %lt3A_569 = arith.cmpf olt, %add3A_565, %select_n3A_558 : vector<8x1024xf32>
    %select_n3A_570 = arith.select %lt3A_569, %add3A_565, %select_n3A_558 : vector<8x1024xi1>, vector<8x1024xf32>
    %select_n3A_571 = arith.select %lt3A_569, %add3A_568, %select_n3A_559 : vector<8x1024xi1>, vector<8x1024xi32>
    %slice3A_572 = vector.extract_strided_slice %dot_general3A_9 {offsets = [376, 0], sizes = [8, 1], strides = [1, 1]} : vector<1024x1xf32> to vector<8x1xf32>
    %add3A_573 = vector.broadcast %dot_general3A_6 : vector<1x1024xf32> to vector<8x1024xf32>
    %add3A_574 = vector.broadcast %slice3A_572 : vector<8x1xf32> to vector<8x1024xf32>
    %add3A_575 = arith.addf %add3A_573, %add3A_574 : vector<8x1024xf32>
    %slice3A_576 = vector.extract_strided_slice %dot_general3A_14 {offsets = [376, 0], sizes = [8, 1024], strides = [1, 1]} : vector<1024x1024xf32> to vector<8x1024xf32>
    %add3A_577 = arith.addf %add3A_575, %slice3A_576 : vector<8x1024xf32>
    %add3A_578 = arith.constant 376 : i32
    %add3A_579 = vector.broadcast %add3A_578 : i32 to vector<8x1024xi32>
    %add3A_580 = arith.addi %iota3A, %add3A_579 : vector<8x1024xi32>
    %lt3A_581 = arith.cmpf olt, %add3A_577, %select_n3A_570 : vector<8x1024xf32>
    %select_n3A_582 = arith.select %lt3A_581, %add3A_577, %select_n3A_570 : vector<8x1024xi1>, vector<8x1024xf32>
    %select_n3A_583 = arith.select %lt3A_581, %add3A_580, %select_n3A_571 : vector<8x1024xi1>, vector<8x1024xi32>
    %slice3A_584 = vector.extract_strided_slice %dot_general3A_9 {offsets = [384, 0], sizes = [8, 1], strides = [1, 1]} : vector<1024x1xf32> to vector<8x1xf32>
    %add3A_585 = vector.broadcast %dot_general3A_6 : vector<1x1024xf32> to vector<8x1024xf32>
    %add3A_586 = vector.broadcast %slice3A_584 : vector<8x1xf32> to vector<8x1024xf32>
    %add3A_587 = arith.addf %add3A_585, %add3A_586 : vector<8x1024xf32>
    %slice3A_588 = vector.extract_strided_slice %dot_general3A_14 {offsets = [384, 0], sizes = [8, 1024], strides = [1, 1]} : vector<1024x1024xf32> to vector<8x1024xf32>
    %add3A_589 = arith.addf %add3A_587, %slice3A_588 : vector<8x1024xf32>
    %add3A_590 = arith.constant 384 : i32
    %add3A_591 = vector.broadcast %add3A_590 : i32 to vector<8x1024xi32>
    %add3A_592 = arith.addi %iota3A, %add3A_591 : vector<8x1024xi32>
    %lt3A_593 = arith.cmpf olt, %add3A_589, %select_n3A_582 : vector<8x1024xf32>
    %select_n3A_594 = arith.select %lt3A_593, %add3A_589, %select_n3A_582 : vector<8x1024xi1>, vector<8x1024xf32>
    %select_n3A_595 = arith.select %lt3A_593, %add3A_592, %select_n3A_583 : vector<8x1024xi1>, vector<8x1024xi32>
    %slice3A_596 = vector.extract_strided_slice %dot_general3A_9 {offsets = [392, 0], sizes = [8, 1], strides = [1, 1]} : vector<1024x1xf32> to vector<8x1xf32>
    %add3A_597 = vector.broadcast %dot_general3A_6 : vector<1x1024xf32> to vector<8x1024xf32>
    %add3A_598 = vector.broadcast %slice3A_596 : vector<8x1xf32> to vector<8x1024xf32>
    %add3A_599 = arith.addf %add3A_597, %add3A_598 : vector<8x1024xf32>
    %slice3A_600 = vector.extract_strided_slice %dot_general3A_14 {offsets = [392, 0], sizes = [8, 1024], strides = [1, 1]} : vector<1024x1024xf32> to vector<8x1024xf32>
    %add3A_601 = arith.addf %add3A_599, %slice3A_600 : vector<8x1024xf32>
    %add3A_602 = arith.constant 392 : i32
    %add3A_603 = vector.broadcast %add3A_602 : i32 to vector<8x1024xi32>
    %add3A_604 = arith.addi %iota3A, %add3A_603 : vector<8x1024xi32>
    %lt3A_605 = arith.cmpf olt, %add3A_601, %select_n3A_594 : vector<8x1024xf32>
    %select_n3A_606 = arith.select %lt3A_605, %add3A_601, %select_n3A_594 : vector<8x1024xi1>, vector<8x1024xf32>
    %select_n3A_607 = arith.select %lt3A_605, %add3A_604, %select_n3A_595 : vector<8x1024xi1>, vector<8x1024xi32>
    %slice3A_608 = vector.extract_strided_slice %dot_general3A_9 {offsets = [400, 0], sizes = [8, 1], strides = [1, 1]} : vector<1024x1xf32> to vector<8x1xf32>
    %add3A_609 = vector.broadcast %dot_general3A_6 : vector<1x1024xf32> to vector<8x1024xf32>
    %add3A_610 = vector.broadcast %slice3A_608 : vector<8x1xf32> to vector<8x1024xf32>
    %add3A_611 = arith.addf %add3A_609, %add3A_610 : vector<8x1024xf32>
    %slice3A_612 = vector.extract_strided_slice %dot_general3A_14 {offsets = [400, 0], sizes = [8, 1024], strides = [1, 1]} : vector<1024x1024xf32> to vector<8x1024xf32>
    %add3A_613 = arith.addf %add3A_611, %slice3A_612 : vector<8x1024xf32>
    %add3A_614 = arith.constant 400 : i32
    %add3A_615 = vector.broadcast %add3A_614 : i32 to vector<8x1024xi32>
    %add3A_616 = arith.addi %iota3A, %add3A_615 : vector<8x1024xi32>
    %lt3A_617 = arith.cmpf olt, %add3A_613, %select_n3A_606 : vector<8x1024xf32>
    %select_n3A_618 = arith.select %lt3A_617, %add3A_613, %select_n3A_606 : vector<8x1024xi1>, vector<8x1024xf32>
    %select_n3A_619 = arith.select %lt3A_617, %add3A_616, %select_n3A_607 : vector<8x1024xi1>, vector<8x1024xi32>
    %slice3A_620 = vector.extract_strided_slice %dot_general3A_9 {offsets = [408, 0], sizes = [8, 1], strides = [1, 1]} : vector<1024x1xf32> to vector<8x1xf32>
    %add3A_621 = vector.broadcast %dot_general3A_6 : vector<1x1024xf32> to vector<8x1024xf32>
    %add3A_622 = vector.broadcast %slice3A_620 : vector<8x1xf32> to vector<8x1024xf32>
    %add3A_623 = arith.addf %add3A_621, %add3A_622 : vector<8x1024xf32>
    %slice3A_624 = vector.extract_strided_slice %dot_general3A_14 {offsets = [408, 0], sizes = [8, 1024], strides = [1, 1]} : vector<1024x1024xf32> to vector<8x1024xf32>
    %add3A_625 = arith.addf %add3A_623, %slice3A_624 : vector<8x1024xf32>
    %add3A_626 = arith.constant 408 : i32
    %add3A_627 = vector.broadcast %add3A_626 : i32 to vector<8x1024xi32>
    %add3A_628 = arith.addi %iota3A, %add3A_627 : vector<8x1024xi32>
    %lt3A_629 = arith.cmpf olt, %add3A_625, %select_n3A_618 : vector<8x1024xf32>
    %select_n3A_630 = arith.select %lt3A_629, %add3A_625, %select_n3A_618 : vector<8x1024xi1>, vector<8x1024xf32>
    %select_n3A_631 = arith.select %lt3A_629, %add3A_628, %select_n3A_619 : vector<8x1024xi1>, vector<8x1024xi32>
    %slice3A_632 = vector.extract_strided_slice %dot_general3A_9 {offsets = [416, 0], sizes = [8, 1], strides = [1, 1]} : vector<1024x1xf32> to vector<8x1xf32>
    %add3A_633 = vector.broadcast %dot_general3A_6 : vector<1x1024xf32> to vector<8x1024xf32>
    %add3A_634 = vector.broadcast %slice3A_632 : vector<8x1xf32> to vector<8x1024xf32>
    %add3A_635 = arith.addf %add3A_633, %add3A_634 : vector<8x1024xf32>
    %slice3A_636 = vector.extract_strided_slice %dot_general3A_14 {offsets = [416, 0], sizes = [8, 1024], strides = [1, 1]} : vector<1024x1024xf32> to vector<8x1024xf32>
    %add3A_637 = arith.addf %add3A_635, %slice3A_636 : vector<8x1024xf32>
    %add3A_638 = arith.constant 416 : i32
    %add3A_639 = vector.broadcast %add3A_638 : i32 to vector<8x1024xi32>
    %add3A_640 = arith.addi %iota3A, %add3A_639 : vector<8x1024xi32>
    %lt3A_641 = arith.cmpf olt, %add3A_637, %select_n3A_630 : vector<8x1024xf32>
    %select_n3A_642 = arith.select %lt3A_641, %add3A_637, %select_n3A_630 : vector<8x1024xi1>, vector<8x1024xf32>
    %select_n3A_643 = arith.select %lt3A_641, %add3A_640, %select_n3A_631 : vector<8x1024xi1>, vector<8x1024xi32>
    %slice3A_644 = vector.extract_strided_slice %dot_general3A_9 {offsets = [424, 0], sizes = [8, 1], strides = [1, 1]} : vector<1024x1xf32> to vector<8x1xf32>
    %add3A_645 = vector.broadcast %dot_general3A_6 : vector<1x1024xf32> to vector<8x1024xf32>
    %add3A_646 = vector.broadcast %slice3A_644 : vector<8x1xf32> to vector<8x1024xf32>
    %add3A_647 = arith.addf %add3A_645, %add3A_646 : vector<8x1024xf32>
    %slice3A_648 = vector.extract_strided_slice %dot_general3A_14 {offsets = [424, 0], sizes = [8, 1024], strides = [1, 1]} : vector<1024x1024xf32> to vector<8x1024xf32>
    %add3A_649 = arith.addf %add3A_647, %slice3A_648 : vector<8x1024xf32>
    %add3A_650 = arith.constant 424 : i32
    %add3A_651 = vector.broadcast %add3A_650 : i32 to vector<8x1024xi32>
    %add3A_652 = arith.addi %iota3A, %add3A_651 : vector<8x1024xi32>
    %lt3A_653 = arith.cmpf olt, %add3A_649, %select_n3A_642 : vector<8x1024xf32>
    %select_n3A_654 = arith.select %lt3A_653, %add3A_649, %select_n3A_642 : vector<8x1024xi1>, vector<8x1024xf32>
    %select_n3A_655 = arith.select %lt3A_653, %add3A_652, %select_n3A_643 : vector<8x1024xi1>, vector<8x1024xi32>
    %slice3A_656 = vector.extract_strided_slice %dot_general3A_9 {offsets = [432, 0], sizes = [8, 1], strides = [1, 1]} : vector<1024x1xf32> to vector<8x1xf32>
    %add3A_657 = vector.broadcast %dot_general3A_6 : vector<1x1024xf32> to vector<8x1024xf32>
    %add3A_658 = vector.broadcast %slice3A_656 : vector<8x1xf32> to vector<8x1024xf32>
    %add3A_659 = arith.addf %add3A_657, %add3A_658 : vector<8x1024xf32>
    %slice3A_660 = vector.extract_strided_slice %dot_general3A_14 {offsets = [432, 0], sizes = [8, 1024], strides = [1, 1]} : vector<1024x1024xf32> to vector<8x1024xf32>
    %add3A_661 = arith.addf %add3A_659, %slice3A_660 : vector<8x1024xf32>
    %add3A_662 = arith.constant 432 : i32
    %add3A_663 = vector.broadcast %add3A_662 : i32 to vector<8x1024xi32>
    %add3A_664 = arith.addi %iota3A, %add3A_663 : vector<8x1024xi32>
    %lt3A_665 = arith.cmpf olt, %add3A_661, %select_n3A_654 : vector<8x1024xf32>
    %select_n3A_666 = arith.select %lt3A_665, %add3A_661, %select_n3A_654 : vector<8x1024xi1>, vector<8x1024xf32>
    %select_n3A_667 = arith.select %lt3A_665, %add3A_664, %select_n3A_655 : vector<8x1024xi1>, vector<8x1024xi32>
    %slice3A_668 = vector.extract_strided_slice %dot_general3A_9 {offsets = [440, 0], sizes = [8, 1], strides = [1, 1]} : vector<1024x1xf32> to vector<8x1xf32>
    %add3A_669 = vector.broadcast %dot_general3A_6 : vector<1x1024xf32> to vector<8x1024xf32>
    %add3A_670 = vector.broadcast %slice3A_668 : vector<8x1xf32> to vector<8x1024xf32>
    %add3A_671 = arith.addf %add3A_669, %add3A_670 : vector<8x1024xf32>
    %slice3A_672 = vector.extract_strided_slice %dot_general3A_14 {offsets = [440, 0], sizes = [8, 1024], strides = [1, 1]} : vector<1024x1024xf32> to vector<8x1024xf32>
    %add3A_673 = arith.addf %add3A_671, %slice3A_672 : vector<8x1024xf32>
    %add3A_674 = arith.constant 440 : i32
    %add3A_675 = vector.broadcast %add3A_674 : i32 to vector<8x1024xi32>
    %add3A_676 = arith.addi %iota3A, %add3A_675 : vector<8x1024xi32>
    %lt3A_677 = arith.cmpf olt, %add3A_673, %select_n3A_666 : vector<8x1024xf32>
    %select_n3A_678 = arith.select %lt3A_677, %add3A_673, %select_n3A_666 : vector<8x1024xi1>, vector<8x1024xf32>
    %select_n3A_679 = arith.select %lt3A_677, %add3A_676, %select_n3A_667 : vector<8x1024xi1>, vector<8x1024xi32>
    %slice3A_680 = vector.extract_strided_slice %dot_general3A_9 {offsets = [448, 0], sizes = [8, 1], strides = [1, 1]} : vector<1024x1xf32> to vector<8x1xf32>
    %add3A_681 = vector.broadcast %dot_general3A_6 : vector<1x1024xf32> to vector<8x1024xf32>
    %add3A_682 = vector.broadcast %slice3A_680 : vector<8x1xf32> to vector<8x1024xf32>
    %add3A_683 = arith.addf %add3A_681, %add3A_682 : vector<8x1024xf32>
    %slice3A_684 = vector.extract_strided_slice %dot_general3A_14 {offsets = [448, 0], sizes = [8, 1024], strides = [1, 1]} : vector<1024x1024xf32> to vector<8x1024xf32>
    %add3A_685 = arith.addf %add3A_683, %slice3A_684 : vector<8x1024xf32>
    %add3A_686 = arith.constant 448 : i32
    %add3A_687 = vector.broadcast %add3A_686 : i32 to vector<8x1024xi32>
    %add3A_688 = arith.addi %iota3A, %add3A_687 : vector<8x1024xi32>
    %lt3A_689 = arith.cmpf olt, %add3A_685, %select_n3A_678 : vector<8x1024xf32>
    %select_n3A_690 = arith.select %lt3A_689, %add3A_685, %select_n3A_678 : vector<8x1024xi1>, vector<8x1024xf32>
    %select_n3A_691 = arith.select %lt3A_689, %add3A_688, %select_n3A_679 : vector<8x1024xi1>, vector<8x1024xi32>
    %slice3A_692 = vector.extract_strided_slice %dot_general3A_9 {offsets = [456, 0], sizes = [8, 1], strides = [1, 1]} : vector<1024x1xf32> to vector<8x1xf32>
    %add3A_693 = vector.broadcast %dot_general3A_6 : vector<1x1024xf32> to vector<8x1024xf32>
    %add3A_694 = vector.broadcast %slice3A_692 : vector<8x1xf32> to vector<8x1024xf32>
    %add3A_695 = arith.addf %add3A_693, %add3A_694 : vector<8x1024xf32>
    %slice3A_696 = vector.extract_strided_slice %dot_general3A_14 {offsets = [456, 0], sizes = [8, 1024], strides = [1, 1]} : vector<1024x1024xf32> to vector<8x1024xf32>
    %add3A_697 = arith.addf %add3A_695, %slice3A_696 : vector<8x1024xf32>
    %add3A_698 = arith.constant 456 : i32
    %add3A_699 = vector.broadcast %add3A_698 : i32 to vector<8x1024xi32>
    %add3A_700 = arith.addi %iota3A, %add3A_699 : vector<8x1024xi32>
    %lt3A_701 = arith.cmpf olt, %add3A_697, %select_n3A_690 : vector<8x1024xf32>
    %select_n3A_702 = arith.select %lt3A_701, %add3A_697, %select_n3A_690 : vector<8x1024xi1>, vector<8x1024xf32>
    %select_n3A_703 = arith.select %lt3A_701, %add3A_700, %select_n3A_691 : vector<8x1024xi1>, vector<8x1024xi32>
    %slice3A_704 = vector.extract_strided_slice %dot_general3A_9 {offsets = [464, 0], sizes = [8, 1], strides = [1, 1]} : vector<1024x1xf32> to vector<8x1xf32>
    %add3A_705 = vector.broadcast %dot_general3A_6 : vector<1x1024xf32> to vector<8x1024xf32>
    %add3A_706 = vector.broadcast %slice3A_704 : vector<8x1xf32> to vector<8x1024xf32>
    %add3A_707 = arith.addf %add3A_705, %add3A_706 : vector<8x1024xf32>
    %slice3A_708 = vector.extract_strided_slice %dot_general3A_14 {offsets = [464, 0], sizes = [8, 1024], strides = [1, 1]} : vector<1024x1024xf32> to vector<8x1024xf32>
    %add3A_709 = arith.addf %add3A_707, %slice3A_708 : vector<8x1024xf32>
    %add3A_710 = arith.constant 464 : i32
    %add3A_711 = vector.broadcast %add3A_710 : i32 to vector<8x1024xi32>
    %add3A_712 = arith.addi %iota3A, %add3A_711 : vector<8x1024xi32>
    %lt3A_713 = arith.cmpf olt, %add3A_709, %select_n3A_702 : vector<8x1024xf32>
    %select_n3A_714 = arith.select %lt3A_713, %add3A_709, %select_n3A_702 : vector<8x1024xi1>, vector<8x1024xf32>
    %select_n3A_715 = arith.select %lt3A_713, %add3A_712, %select_n3A_703 : vector<8x1024xi1>, vector<8x1024xi32>
    %slice3A_716 = vector.extract_strided_slice %dot_general3A_9 {offsets = [472, 0], sizes = [8, 1], strides = [1, 1]} : vector<1024x1xf32> to vector<8x1xf32>
    %add3A_717 = vector.broadcast %dot_general3A_6 : vector<1x1024xf32> to vector<8x1024xf32>
    %add3A_718 = vector.broadcast %slice3A_716 : vector<8x1xf32> to vector<8x1024xf32>
    %add3A_719 = arith.addf %add3A_717, %add3A_718 : vector<8x1024xf32>
    %slice3A_720 = vector.extract_strided_slice %dot_general3A_14 {offsets = [472, 0], sizes = [8, 1024], strides = [1, 1]} : vector<1024x1024xf32> to vector<8x1024xf32>
    %add3A_721 = arith.addf %add3A_719, %slice3A_720 : vector<8x1024xf32>
    %add3A_722 = arith.constant 472 : i32
    %add3A_723 = vector.broadcast %add3A_722 : i32 to vector<8x1024xi32>
    %add3A_724 = arith.addi %iota3A, %add3A_723 : vector<8x1024xi32>
    %lt3A_725 = arith.cmpf olt, %add3A_721, %select_n3A_714 : vector<8x1024xf32>
    %select_n3A_726 = arith.select %lt3A_725, %add3A_721, %select_n3A_714 : vector<8x1024xi1>, vector<8x1024xf32>
    %select_n3A_727 = arith.select %lt3A_725, %add3A_724, %select_n3A_715 : vector<8x1024xi1>, vector<8x1024xi32>
    %slice3A_728 = vector.extract_strided_slice %dot_general3A_9 {offsets = [480, 0], sizes = [8, 1], strides = [1, 1]} : vector<1024x1xf32> to vector<8x1xf32>
    %add3A_729 = vector.broadcast %dot_general3A_6 : vector<1x1024xf32> to vector<8x1024xf32>
    %add3A_730 = vector.broadcast %slice3A_728 : vector<8x1xf32> to vector<8x1024xf32>
    %add3A_731 = arith.addf %add3A_729, %add3A_730 : vector<8x1024xf32>
    %slice3A_732 = vector.extract_strided_slice %dot_general3A_14 {offsets = [480, 0], sizes = [8, 1024], strides = [1, 1]} : vector<1024x1024xf32> to vector<8x1024xf32>
    %add3A_733 = arith.addf %add3A_731, %slice3A_732 : vector<8x1024xf32>
    %add3A_734 = arith.constant 480 : i32
    %add3A_735 = vector.broadcast %add3A_734 : i32 to vector<8x1024xi32>
    %add3A_736 = arith.addi %iota3A, %add3A_735 : vector<8x1024xi32>
    %lt3A_737 = arith.cmpf olt, %add3A_733, %select_n3A_726 : vector<8x1024xf32>
    %select_n3A_738 = arith.select %lt3A_737, %add3A_733, %select_n3A_726 : vector<8x1024xi1>, vector<8x1024xf32>
    %select_n3A_739 = arith.select %lt3A_737, %add3A_736, %select_n3A_727 : vector<8x1024xi1>, vector<8x1024xi32>
    %slice3A_740 = vector.extract_strided_slice %dot_general3A_9 {offsets = [488, 0], sizes = [8, 1], strides = [1, 1]} : vector<1024x1xf32> to vector<8x1xf32>
    %add3A_741 = vector.broadcast %dot_general3A_6 : vector<1x1024xf32> to vector<8x1024xf32>
    %add3A_742 = vector.broadcast %slice3A_740 : vector<8x1xf32> to vector<8x1024xf32>
    %add3A_743 = arith.addf %add3A_741, %add3A_742 : vector<8x1024xf32>
    %slice3A_744 = vector.extract_strided_slice %dot_general3A_14 {offsets = [488, 0], sizes = [8, 1024], strides = [1, 1]} : vector<1024x1024xf32> to vector<8x1024xf32>
    %add3A_745 = arith.addf %add3A_743, %slice3A_744 : vector<8x1024xf32>
    %add3A_746 = arith.constant 488 : i32
    %add3A_747 = vector.broadcast %add3A_746 : i32 to vector<8x1024xi32>
    %add3A_748 = arith.addi %iota3A, %add3A_747 : vector<8x1024xi32>
    %lt3A_749 = arith.cmpf olt, %add3A_745, %select_n3A_738 : vector<8x1024xf32>
    %select_n3A_750 = arith.select %lt3A_749, %add3A_745, %select_n3A_738 : vector<8x1024xi1>, vector<8x1024xf32>
    %select_n3A_751 = arith.select %lt3A_749, %add3A_748, %select_n3A_739 : vector<8x1024xi1>, vector<8x1024xi32>
    %slice3A_752 = vector.extract_strided_slice %dot_general3A_9 {offsets = [496, 0], sizes = [8, 1], strides = [1, 1]} : vector<1024x1xf32> to vector<8x1xf32>
    %add3A_753 = vector.broadcast %dot_general3A_6 : vector<1x1024xf32> to vector<8x1024xf32>
    %add3A_754 = vector.broadcast %slice3A_752 : vector<8x1xf32> to vector<8x1024xf32>
    %add3A_755 = arith.addf %add3A_753, %add3A_754 : vector<8x1024xf32>
    %slice3A_756 = vector.extract_strided_slice %dot_general3A_14 {offsets = [496, 0], sizes = [8, 1024], strides = [1, 1]} : vector<1024x1024xf32> to vector<8x1024xf32>
    %add3A_757 = arith.addf %add3A_755, %slice3A_756 : vector<8x1024xf32>
    %add3A_758 = arith.constant 496 : i32
    %add3A_759 = vector.broadcast %add3A_758 : i32 to vector<8x1024xi32>
    %add3A_760 = arith.addi %iota3A, %add3A_759 : vector<8x1024xi32>
    %lt3A_761 = arith.cmpf olt, %add3A_757, %select_n3A_750 : vector<8x1024xf32>
    %select_n3A_762 = arith.select %lt3A_761, %add3A_757, %select_n3A_750 : vector<8x1024xi1>, vector<8x1024xf32>
    %select_n3A_763 = arith.select %lt3A_761, %add3A_760, %select_n3A_751 : vector<8x1024xi1>, vector<8x1024xi32>
    %slice3A_764 = vector.extract_strided_slice %dot_general3A_9 {offsets = [504, 0], sizes = [8, 1], strides = [1, 1]} : vector<1024x1xf32> to vector<8x1xf32>
    %add3A_765 = vector.broadcast %dot_general3A_6 : vector<1x1024xf32> to vector<8x1024xf32>
    %add3A_766 = vector.broadcast %slice3A_764 : vector<8x1xf32> to vector<8x1024xf32>
    %add3A_767 = arith.addf %add3A_765, %add3A_766 : vector<8x1024xf32>
    %slice3A_768 = vector.extract_strided_slice %dot_general3A_14 {offsets = [504, 0], sizes = [8, 1024], strides = [1, 1]} : vector<1024x1024xf32> to vector<8x1024xf32>
    %add3A_769 = arith.addf %add3A_767, %slice3A_768 : vector<8x1024xf32>
    %add3A_770 = arith.constant 504 : i32
    %add3A_771 = vector.broadcast %add3A_770 : i32 to vector<8x1024xi32>
    %add3A_772 = arith.addi %iota3A, %add3A_771 : vector<8x1024xi32>
    %lt3A_773 = arith.cmpf olt, %add3A_769, %select_n3A_762 : vector<8x1024xf32>
    %select_n3A_774 = arith.select %lt3A_773, %add3A_769, %select_n3A_762 : vector<8x1024xi1>, vector<8x1024xf32>
    %select_n3A_775 = arith.select %lt3A_773, %add3A_772, %select_n3A_763 : vector<8x1024xi1>, vector<8x1024xi32>
    %slice3A_776 = vector.extract_strided_slice %dot_general3A_9 {offsets = [512, 0], sizes = [8, 1], strides = [1, 1]} : vector<1024x1xf32> to vector<8x1xf32>
    %add3A_777 = vector.broadcast %dot_general3A_6 : vector<1x1024xf32> to vector<8x1024xf32>
    %add3A_778 = vector.broadcast %slice3A_776 : vector<8x1xf32> to vector<8x1024xf32>
    %add3A_779 = arith.addf %add3A_777, %add3A_778 : vector<8x1024xf32>
    %slice3A_780 = vector.extract_strided_slice %dot_general3A_14 {offsets = [512, 0], sizes = [8, 1024], strides = [1, 1]} : vector<1024x1024xf32> to vector<8x1024xf32>
    %add3A_781 = arith.addf %add3A_779, %slice3A_780 : vector<8x1024xf32>
    %add3A_782 = arith.constant 512 : i32
    %add3A_783 = vector.broadcast %add3A_782 : i32 to vector<8x1024xi32>
    %add3A_784 = arith.addi %iota3A, %add3A_783 : vector<8x1024xi32>
    %lt3A_785 = arith.cmpf olt, %add3A_781, %select_n3A_774 : vector<8x1024xf32>
    %select_n3A_786 = arith.select %lt3A_785, %add3A_781, %select_n3A_774 : vector<8x1024xi1>, vector<8x1024xf32>
    %select_n3A_787 = arith.select %lt3A_785, %add3A_784, %select_n3A_775 : vector<8x1024xi1>, vector<8x1024xi32>
    %slice3A_788 = vector.extract_strided_slice %dot_general3A_9 {offsets = [520, 0], sizes = [8, 1], strides = [1, 1]} : vector<1024x1xf32> to vector<8x1xf32>
    %add3A_789 = vector.broadcast %dot_general3A_6 : vector<1x1024xf32> to vector<8x1024xf32>
    %add3A_790 = vector.broadcast %slice3A_788 : vector<8x1xf32> to vector<8x1024xf32>
    %add3A_791 = arith.addf %add3A_789, %add3A_790 : vector<8x1024xf32>
    %slice3A_792 = vector.extract_strided_slice %dot_general3A_14 {offsets = [520, 0], sizes = [8, 1024], strides = [1, 1]} : vector<1024x1024xf32> to vector<8x1024xf32>
    %add3A_793 = arith.addf %add3A_791, %slice3A_792 : vector<8x1024xf32>
    %add3A_794 = arith.constant 520 : i32
    %add3A_795 = vector.broadcast %add3A_794 : i32 to vector<8x1024xi32>
    %add3A_796 = arith.addi %iota3A, %add3A_795 : vector<8x1024xi32>
    %lt3A_797 = arith.cmpf olt, %add3A_793, %select_n3A_786 : vector<8x1024xf32>
    %select_n3A_798 = arith.select %lt3A_797, %add3A_793, %select_n3A_786 : vector<8x1024xi1>, vector<8x1024xf32>
    %select_n3A_799 = arith.select %lt3A_797, %add3A_796, %select_n3A_787 : vector<8x1024xi1>, vector<8x1024xi32>
    %slice3A_800 = vector.extract_strided_slice %dot_general3A_9 {offsets = [528, 0], sizes = [8, 1], strides = [1, 1]} : vector<1024x1xf32> to vector<8x1xf32>
    %add3A_801 = vector.broadcast %dot_general3A_6 : vector<1x1024xf32> to vector<8x1024xf32>
    %add3A_802 = vector.broadcast %slice3A_800 : vector<8x1xf32> to vector<8x1024xf32>
    %add3A_803 = arith.addf %add3A_801, %add3A_802 : vector<8x1024xf32>
    %slice3A_804 = vector.extract_strided_slice %dot_general3A_14 {offsets = [528, 0], sizes = [8, 1024], strides = [1, 1]} : vector<1024x1024xf32> to vector<8x1024xf32>
    %add3A_805 = arith.addf %add3A_803, %slice3A_804 : vector<8x1024xf32>
    %add3A_806 = arith.constant 528 : i32
    %add3A_807 = vector.broadcast %add3A_806 : i32 to vector<8x1024xi32>
    %add3A_808 = arith.addi %iota3A, %add3A_807 : vector<8x1024xi32>
    %lt3A_809 = arith.cmpf olt, %add3A_805, %select_n3A_798 : vector<8x1024xf32>
    %select_n3A_810 = arith.select %lt3A_809, %add3A_805, %select_n3A_798 : vector<8x1024xi1>, vector<8x1024xf32>
    %select_n3A_811 = arith.select %lt3A_809, %add3A_808, %select_n3A_799 : vector<8x1024xi1>, vector<8x1024xi32>
    %slice3A_812 = vector.extract_strided_slice %dot_general3A_9 {offsets = [536, 0], sizes = [8, 1], strides = [1, 1]} : vector<1024x1xf32> to vector<8x1xf32>
    %add3A_813 = vector.broadcast %dot_general3A_6 : vector<1x1024xf32> to vector<8x1024xf32>
    %add3A_814 = vector.broadcast %slice3A_812 : vector<8x1xf32> to vector<8x1024xf32>
    %add3A_815 = arith.addf %add3A_813, %add3A_814 : vector<8x1024xf32>
    %slice3A_816 = vector.extract_strided_slice %dot_general3A_14 {offsets = [536, 0], sizes = [8, 1024], strides = [1, 1]} : vector<1024x1024xf32> to vector<8x1024xf32>
    %add3A_817 = arith.addf %add3A_815, %slice3A_816 : vector<8x1024xf32>
    %add3A_818 = arith.constant 536 : i32
    %add3A_819 = vector.broadcast %add3A_818 : i32 to vector<8x1024xi32>
    %add3A_820 = arith.addi %iota3A, %add3A_819 : vector<8x1024xi32>
    %lt3A_821 = arith.cmpf olt, %add3A_817, %select_n3A_810 : vector<8x1024xf32>
    %select_n3A_822 = arith.select %lt3A_821, %add3A_817, %select_n3A_810 : vector<8x1024xi1>, vector<8x1024xf32>
    %select_n3A_823 = arith.select %lt3A_821, %add3A_820, %select_n3A_811 : vector<8x1024xi1>, vector<8x1024xi32>
    %slice3A_824 = vector.extract_strided_slice %dot_general3A_9 {offsets = [544, 0], sizes = [8, 1], strides = [1, 1]} : vector<1024x1xf32> to vector<8x1xf32>
    %add3A_825 = vector.broadcast %dot_general3A_6 : vector<1x1024xf32> to vector<8x1024xf32>
    %add3A_826 = vector.broadcast %slice3A_824 : vector<8x1xf32> to vector<8x1024xf32>
    %add3A_827 = arith.addf %add3A_825, %add3A_826 : vector<8x1024xf32>
    %slice3A_828 = vector.extract_strided_slice %dot_general3A_14 {offsets = [544, 0], sizes = [8, 1024], strides = [1, 1]} : vector<1024x1024xf32> to vector<8x1024xf32>
    %add3A_829 = arith.addf %add3A_827, %slice3A_828 : vector<8x1024xf32>
    %add3A_830 = arith.constant 544 : i32
    %add3A_831 = vector.broadcast %add3A_830 : i32 to vector<8x1024xi32>
    %add3A_832 = arith.addi %iota3A, %add3A_831 : vector<8x1024xi32>
    %lt3A_833 = arith.cmpf olt, %add3A_829, %select_n3A_822 : vector<8x1024xf32>
    %select_n3A_834 = arith.select %lt3A_833, %add3A_829, %select_n3A_822 : vector<8x1024xi1>, vector<8x1024xf32>
    %select_n3A_835 = arith.select %lt3A_833, %add3A_832, %select_n3A_823 : vector<8x1024xi1>, vector<8x1024xi32>
    %slice3A_836 = vector.extract_strided_slice %dot_general3A_9 {offsets = [552, 0], sizes = [8, 1], strides = [1, 1]} : vector<1024x1xf32> to vector<8x1xf32>
    %add3A_837 = vector.broadcast %dot_general3A_6 : vector<1x1024xf32> to vector<8x1024xf32>
    %add3A_838 = vector.broadcast %slice3A_836 : vector<8x1xf32> to vector<8x1024xf32>
    %add3A_839 = arith.addf %add3A_837, %add3A_838 : vector<8x1024xf32>
    %slice3A_840 = vector.extract_strided_slice %dot_general3A_14 {offsets = [552, 0], sizes = [8, 1024], strides = [1, 1]} : vector<1024x1024xf32> to vector<8x1024xf32>
    %add3A_841 = arith.addf %add3A_839, %slice3A_840 : vector<8x1024xf32>
    %add3A_842 = arith.constant 552 : i32
    %add3A_843 = vector.broadcast %add3A_842 : i32 to vector<8x1024xi32>
    %add3A_844 = arith.addi %iota3A, %add3A_843 : vector<8x1024xi32>
    %lt3A_845 = arith.cmpf olt, %add3A_841, %select_n3A_834 : vector<8x1024xf32>
    %select_n3A_846 = arith.select %lt3A_845, %add3A_841, %select_n3A_834 : vector<8x1024xi1>, vector<8x1024xf32>
    %select_n3A_847 = arith.select %lt3A_845, %add3A_844, %select_n3A_835 : vector<8x1024xi1>, vector<8x1024xi32>
    %slice3A_848 = vector.extract_strided_slice %dot_general3A_9 {offsets = [560, 0], sizes = [8, 1], strides = [1, 1]} : vector<1024x1xf32> to vector<8x1xf32>
    %add3A_849 = vector.broadcast %dot_general3A_6 : vector<1x1024xf32> to vector<8x1024xf32>
    %add3A_850 = vector.broadcast %slice3A_848 : vector<8x1xf32> to vector<8x1024xf32>
    %add3A_851 = arith.addf %add3A_849, %add3A_850 : vector<8x1024xf32>
    %slice3A_852 = vector.extract_strided_slice %dot_general3A_14 {offsets = [560, 0], sizes = [8, 1024], strides = [1, 1]} : vector<1024x1024xf32> to vector<8x1024xf32>
    %add3A_853 = arith.addf %add3A_851, %slice3A_852 : vector<8x1024xf32>
    %add3A_854 = arith.constant 560 : i32
    %add3A_855 = vector.broadcast %add3A_854 : i32 to vector<8x1024xi32>
    %add3A_856 = arith.addi %iota3A, %add3A_855 : vector<8x1024xi32>
    %lt3A_857 = arith.cmpf olt, %add3A_853, %select_n3A_846 : vector<8x1024xf32>
    %select_n3A_858 = arith.select %lt3A_857, %add3A_853, %select_n3A_846 : vector<8x1024xi1>, vector<8x1024xf32>
    %select_n3A_859 = arith.select %lt3A_857, %add3A_856, %select_n3A_847 : vector<8x1024xi1>, vector<8x1024xi32>
    %slice3A_860 = vector.extract_strided_slice %dot_general3A_9 {offsets = [568, 0], sizes = [8, 1], strides = [1, 1]} : vector<1024x1xf32> to vector<8x1xf32>
    %add3A_861 = vector.broadcast %dot_general3A_6 : vector<1x1024xf32> to vector<8x1024xf32>
    %add3A_862 = vector.broadcast %slice3A_860 : vector<8x1xf32> to vector<8x1024xf32>
    %add3A_863 = arith.addf %add3A_861, %add3A_862 : vector<8x1024xf32>
    %slice3A_864 = vector.extract_strided_slice %dot_general3A_14 {offsets = [568, 0], sizes = [8, 1024], strides = [1, 1]} : vector<1024x1024xf32> to vector<8x1024xf32>
    %add3A_865 = arith.addf %add3A_863, %slice3A_864 : vector<8x1024xf32>
    %add3A_866 = arith.constant 568 : i32
    %add3A_867 = vector.broadcast %add3A_866 : i32 to vector<8x1024xi32>
    %add3A_868 = arith.addi %iota3A, %add3A_867 : vector<8x1024xi32>
    %lt3A_869 = arith.cmpf olt, %add3A_865, %select_n3A_858 : vector<8x1024xf32>
    %select_n3A_870 = arith.select %lt3A_869, %add3A_865, %select_n3A_858 : vector<8x1024xi1>, vector<8x1024xf32>
    %select_n3A_871 = arith.select %lt3A_869, %add3A_868, %select_n3A_859 : vector<8x1024xi1>, vector<8x1024xi32>
    %slice3A_872 = vector.extract_strided_slice %dot_general3A_9 {offsets = [576, 0], sizes = [8, 1], strides = [1, 1]} : vector<1024x1xf32> to vector<8x1xf32>
    %add3A_873 = vector.broadcast %dot_general3A_6 : vector<1x1024xf32> to vector<8x1024xf32>
    %add3A_874 = vector.broadcast %slice3A_872 : vector<8x1xf32> to vector<8x1024xf32>
    %add3A_875 = arith.addf %add3A_873, %add3A_874 : vector<8x1024xf32>
    %slice3A_876 = vector.extract_strided_slice %dot_general3A_14 {offsets = [576, 0], sizes = [8, 1024], strides = [1, 1]} : vector<1024x1024xf32> to vector<8x1024xf32>
    %add3A_877 = arith.addf %add3A_875, %slice3A_876 : vector<8x1024xf32>
    %add3A_878 = arith.constant 576 : i32
    %add3A_879 = vector.broadcast %add3A_878 : i32 to vector<8x1024xi32>
    %add3A_880 = arith.addi %iota3A, %add3A_879 : vector<8x1024xi32>
    %lt3A_881 = arith.cmpf olt, %add3A_877, %select_n3A_870 : vector<8x1024xf32>
    %select_n3A_882 = arith.select %lt3A_881, %add3A_877, %select_n3A_870 : vector<8x1024xi1>, vector<8x1024xf32>
    %select_n3A_883 = arith.select %lt3A_881, %add3A_880, %select_n3A_871 : vector<8x1024xi1>, vector<8x1024xi32>
    %slice3A_884 = vector.extract_strided_slice %dot_general3A_9 {offsets = [584, 0], sizes = [8, 1], strides = [1, 1]} : vector<1024x1xf32> to vector<8x1xf32>
    %add3A_885 = vector.broadcast %dot_general3A_6 : vector<1x1024xf32> to vector<8x1024xf32>
    %add3A_886 = vector.broadcast %slice3A_884 : vector<8x1xf32> to vector<8x1024xf32>
    %add3A_887 = arith.addf %add3A_885, %add3A_886 : vector<8x1024xf32>
    %slice3A_888 = vector.extract_strided_slice %dot_general3A_14 {offsets = [584, 0], sizes = [8, 1024], strides = [1, 1]} : vector<1024x1024xf32> to vector<8x1024xf32>
    %add3A_889 = arith.addf %add3A_887, %slice3A_888 : vector<8x1024xf32>
    %add3A_890 = arith.constant 584 : i32
    %add3A_891 = vector.broadcast %add3A_890 : i32 to vector<8x1024xi32>
    %add3A_892 = arith.addi %iota3A, %add3A_891 : vector<8x1024xi32>
    %lt3A_893 = arith.cmpf olt, %add3A_889, %select_n3A_882 : vector<8x1024xf32>
    %select_n3A_894 = arith.select %lt3A_893, %add3A_889, %select_n3A_882 : vector<8x1024xi1>, vector<8x1024xf32>
    %select_n3A_895 = arith.select %lt3A_893, %add3A_892, %select_n3A_883 : vector<8x1024xi1>, vector<8x1024xi32>
    %slice3A_896 = vector.extract_strided_slice %dot_general3A_9 {offsets = [592, 0], sizes = [8, 1], strides = [1, 1]} : vector<1024x1xf32> to vector<8x1xf32>
    %add3A_897 = vector.broadcast %dot_general3A_6 : vector<1x1024xf32> to vector<8x1024xf32>
    %add3A_898 = vector.broadcast %slice3A_896 : vector<8x1xf32> to vector<8x1024xf32>
    %add3A_899 = arith.addf %add3A_897, %add3A_898 : vector<8x1024xf32>
    %slice3A_900 = vector.extract_strided_slice %dot_general3A_14 {offsets = [592, 0], sizes = [8, 1024], strides = [1, 1]} : vector<1024x1024xf32> to vector<8x1024xf32>
    %add3A_901 = arith.addf %add3A_899, %slice3A_900 : vector<8x1024xf32>
    %add3A_902 = arith.constant 592 : i32
    %add3A_903 = vector.broadcast %add3A_902 : i32 to vector<8x1024xi32>
    %add3A_904 = arith.addi %iota3A, %add3A_903 : vector<8x1024xi32>
    %lt3A_905 = arith.cmpf olt, %add3A_901, %select_n3A_894 : vector<8x1024xf32>
    %select_n3A_906 = arith.select %lt3A_905, %add3A_901, %select_n3A_894 : vector<8x1024xi1>, vector<8x1024xf32>
    %select_n3A_907 = arith.select %lt3A_905, %add3A_904, %select_n3A_895 : vector<8x1024xi1>, vector<8x1024xi32>
    %slice3A_908 = vector.extract_strided_slice %dot_general3A_9 {offsets = [600, 0], sizes = [8, 1], strides = [1, 1]} : vector<1024x1xf32> to vector<8x1xf32>
    %add3A_909 = vector.broadcast %dot_general3A_6 : vector<1x1024xf32> to vector<8x1024xf32>
    %add3A_910 = vector.broadcast %slice3A_908 : vector<8x1xf32> to vector<8x1024xf32>
    %add3A_911 = arith.addf %add3A_909, %add3A_910 : vector<8x1024xf32>
    %slice3A_912 = vector.extract_strided_slice %dot_general3A_14 {offsets = [600, 0], sizes = [8, 1024], strides = [1, 1]} : vector<1024x1024xf32> to vector<8x1024xf32>
    %add3A_913 = arith.addf %add3A_911, %slice3A_912 : vector<8x1024xf32>
    %add3A_914 = arith.constant 600 : i32
    %add3A_915 = vector.broadcast %add3A_914 : i32 to vector<8x1024xi32>
    %add3A_916 = arith.addi %iota3A, %add3A_915 : vector<8x1024xi32>
    %lt3A_917 = arith.cmpf olt, %add3A_913, %select_n3A_906 : vector<8x1024xf32>
    %select_n3A_918 = arith.select %lt3A_917, %add3A_913, %select_n3A_906 : vector<8x1024xi1>, vector<8x1024xf32>
    %select_n3A_919 = arith.select %lt3A_917, %add3A_916, %select_n3A_907 : vector<8x1024xi1>, vector<8x1024xi32>
    %slice3A_920 = vector.extract_strided_slice %dot_general3A_9 {offsets = [608, 0], sizes = [8, 1], strides = [1, 1]} : vector<1024x1xf32> to vector<8x1xf32>
    %add3A_921 = vector.broadcast %dot_general3A_6 : vector<1x1024xf32> to vector<8x1024xf32>
    %add3A_922 = vector.broadcast %slice3A_920 : vector<8x1xf32> to vector<8x1024xf32>
    %add3A_923 = arith.addf %add3A_921, %add3A_922 : vector<8x1024xf32>
    %slice3A_924 = vector.extract_strided_slice %dot_general3A_14 {offsets = [608, 0], sizes = [8, 1024], strides = [1, 1]} : vector<1024x1024xf32> to vector<8x1024xf32>
    %add3A_925 = arith.addf %add3A_923, %slice3A_924 : vector<8x1024xf32>
    %add3A_926 = arith.constant 608 : i32
    %add3A_927 = vector.broadcast %add3A_926 : i32 to vector<8x1024xi32>
    %add3A_928 = arith.addi %iota3A, %add3A_927 : vector<8x1024xi32>
    %lt3A_929 = arith.cmpf olt, %add3A_925, %select_n3A_918 : vector<8x1024xf32>
    %select_n3A_930 = arith.select %lt3A_929, %add3A_925, %select_n3A_918 : vector<8x1024xi1>, vector<8x1024xf32>
    %select_n3A_931 = arith.select %lt3A_929, %add3A_928, %select_n3A_919 : vector<8x1024xi1>, vector<8x1024xi32>
    %slice3A_932 = vector.extract_strided_slice %dot_general3A_9 {offsets = [616, 0], sizes = [8, 1], strides = [1, 1]} : vector<1024x1xf32> to vector<8x1xf32>
    %add3A_933 = vector.broadcast %dot_general3A_6 : vector<1x1024xf32> to vector<8x1024xf32>
    %add3A_934 = vector.broadcast %slice3A_932 : vector<8x1xf32> to vector<8x1024xf32>
    %add3A_935 = arith.addf %add3A_933, %add3A_934 : vector<8x1024xf32>
    %slice3A_936 = vector.extract_strided_slice %dot_general3A_14 {offsets = [616, 0], sizes = [8, 1024], strides = [1, 1]} : vector<1024x1024xf32> to vector<8x1024xf32>
    %add3A_937 = arith.addf %add3A_935, %slice3A_936 : vector<8x1024xf32>
    %add3A_938 = arith.constant 616 : i32
    %add3A_939 = vector.broadcast %add3A_938 : i32 to vector<8x1024xi32>
    %add3A_940 = arith.addi %iota3A, %add3A_939 : vector<8x1024xi32>
    %lt3A_941 = arith.cmpf olt, %add3A_937, %select_n3A_930 : vector<8x1024xf32>
    %select_n3A_942 = arith.select %lt3A_941, %add3A_937, %select_n3A_930 : vector<8x1024xi1>, vector<8x1024xf32>
    %select_n3A_943 = arith.select %lt3A_941, %add3A_940, %select_n3A_931 : vector<8x1024xi1>, vector<8x1024xi32>
    %slice3A_944 = vector.extract_strided_slice %dot_general3A_9 {offsets = [624, 0], sizes = [8, 1], strides = [1, 1]} : vector<1024x1xf32> to vector<8x1xf32>
    %add3A_945 = vector.broadcast %dot_general3A_6 : vector<1x1024xf32> to vector<8x1024xf32>
    %add3A_946 = vector.broadcast %slice3A_944 : vector<8x1xf32> to vector<8x1024xf32>
    %add3A_947 = arith.addf %add3A_945, %add3A_946 : vector<8x1024xf32>
    %slice3A_948 = vector.extract_strided_slice %dot_general3A_14 {offsets = [624, 0], sizes = [8, 1024], strides = [1, 1]} : vector<1024x1024xf32> to vector<8x1024xf32>
    %add3A_949 = arith.addf %add3A_947, %slice3A_948 : vector<8x1024xf32>
    %add3A_950 = arith.constant 624 : i32
    %add3A_951 = vector.broadcast %add3A_950 : i32 to vector<8x1024xi32>
    %add3A_952 = arith.addi %iota3A, %add3A_951 : vector<8x1024xi32>
    %lt3A_953 = arith.cmpf olt, %add3A_949, %select_n3A_942 : vector<8x1024xf32>
    %select_n3A_954 = arith.select %lt3A_953, %add3A_949, %select_n3A_942 : vector<8x1024xi1>, vector<8x1024xf32>
    %select_n3A_955 = arith.select %lt3A_953, %add3A_952, %select_n3A_943 : vector<8x1024xi1>, vector<8x1024xi32>
    %slice3A_956 = vector.extract_strided_slice %dot_general3A_9 {offsets = [632, 0], sizes = [8, 1], strides = [1, 1]} : vector<1024x1xf32> to vector<8x1xf32>
    %add3A_957 = vector.broadcast %dot_general3A_6 : vector<1x1024xf32> to vector<8x1024xf32>
    %add3A_958 = vector.broadcast %slice3A_956 : vector<8x1xf32> to vector<8x1024xf32>
    %add3A_959 = arith.addf %add3A_957, %add3A_958 : vector<8x1024xf32>
    %slice3A_960 = vector.extract_strided_slice %dot_general3A_14 {offsets = [632, 0], sizes = [8, 1024], strides = [1, 1]} : vector<1024x1024xf32> to vector<8x1024xf32>
    %add3A_961 = arith.addf %add3A_959, %slice3A_960 : vector<8x1024xf32>
    %add3A_962 = arith.constant 632 : i32
    %add3A_963 = vector.broadcast %add3A_962 : i32 to vector<8x1024xi32>
    %add3A_964 = arith.addi %iota3A, %add3A_963 : vector<8x1024xi32>
    %lt3A_965 = arith.cmpf olt, %add3A_961, %select_n3A_954 : vector<8x1024xf32>
    %select_n3A_966 = arith.select %lt3A_965, %add3A_961, %select_n3A_954 : vector<8x1024xi1>, vector<8x1024xf32>
    %select_n3A_967 = arith.select %lt3A_965, %add3A_964, %select_n3A_955 : vector<8x1024xi1>, vector<8x1024xi32>
    %slice3A_968 = vector.extract_strided_slice %dot_general3A_9 {offsets = [640, 0], sizes = [8, 1], strides = [1, 1]} : vector<1024x1xf32> to vector<8x1xf32>
    %add3A_969 = vector.broadcast %dot_general3A_6 : vector<1x1024xf32> to vector<8x1024xf32>
    %add3A_970 = vector.broadcast %slice3A_968 : vector<8x1xf32> to vector<8x1024xf32>
    %add3A_971 = arith.addf %add3A_969, %add3A_970 : vector<8x1024xf32>
    %slice3A_972 = vector.extract_strided_slice %dot_general3A_14 {offsets = [640, 0], sizes = [8, 1024], strides = [1, 1]} : vector<1024x1024xf32> to vector<8x1024xf32>
    %add3A_973 = arith.addf %add3A_971, %slice3A_972 : vector<8x1024xf32>
    %add3A_974 = arith.constant 640 : i32
    %add3A_975 = vector.broadcast %add3A_974 : i32 to vector<8x1024xi32>
    %add3A_976 = arith.addi %iota3A, %add3A_975 : vector<8x1024xi32>
    %lt3A_977 = arith.cmpf olt, %add3A_973, %select_n3A_966 : vector<8x1024xf32>
    %select_n3A_978 = arith.select %lt3A_977, %add3A_973, %select_n3A_966 : vector<8x1024xi1>, vector<8x1024xf32>
    %select_n3A_979 = arith.select %lt3A_977, %add3A_976, %select_n3A_967 : vector<8x1024xi1>, vector<8x1024xi32>
    %slice3A_980 = vector.extract_strided_slice %dot_general3A_9 {offsets = [648, 0], sizes = [8, 1], strides = [1, 1]} : vector<1024x1xf32> to vector<8x1xf32>
    %add3A_981 = vector.broadcast %dot_general3A_6 : vector<1x1024xf32> to vector<8x1024xf32>
    %add3A_982 = vector.broadcast %slice3A_980 : vector<8x1xf32> to vector<8x1024xf32>
    %add3A_983 = arith.addf %add3A_981, %add3A_982 : vector<8x1024xf32>
    %slice3A_984 = vector.extract_strided_slice %dot_general3A_14 {offsets = [648, 0], sizes = [8, 1024], strides = [1, 1]} : vector<1024x1024xf32> to vector<8x1024xf32>
    %add3A_985 = arith.addf %add3A_983, %slice3A_984 : vector<8x1024xf32>
    %add3A_986 = arith.constant 648 : i32
    %add3A_987 = vector.broadcast %add3A_986 : i32 to vector<8x1024xi32>
    %add3A_988 = arith.addi %iota3A, %add3A_987 : vector<8x1024xi32>
    %lt3A_989 = arith.cmpf olt, %add3A_985, %select_n3A_978 : vector<8x1024xf32>
    %select_n3A_990 = arith.select %lt3A_989, %add3A_985, %select_n3A_978 : vector<8x1024xi1>, vector<8x1024xf32>
    %select_n3A_991 = arith.select %lt3A_989, %add3A_988, %select_n3A_979 : vector<8x1024xi1>, vector<8x1024xi32>
    %slice3A_992 = vector.extract_strided_slice %dot_general3A_9 {offsets = [656, 0], sizes = [8, 1], strides = [1, 1]} : vector<1024x1xf32> to vector<8x1xf32>
    %add3A_993 = vector.broadcast %dot_general3A_6 : vector<1x1024xf32> to vector<8x1024xf32>
    %add3A_994 = vector.broadcast %slice3A_992 : vector<8x1xf32> to vector<8x1024xf32>
    %add3A_995 = arith.addf %add3A_993, %add3A_994 : vector<8x1024xf32>
    %slice3A_996 = vector.extract_strided_slice %dot_general3A_14 {offsets = [656, 0], sizes = [8, 1024], strides = [1, 1]} : vector<1024x1024xf32> to vector<8x1024xf32>
    %add3A_997 = arith.addf %add3A_995, %slice3A_996 : vector<8x1024xf32>
    %add3A_998 = arith.constant 656 : i32
    %add3A_999 = vector.broadcast %add3A_998 : i32 to vector<8x1024xi32>
    %add3A_1000 = arith.addi %iota3A, %add3A_999 : vector<8x1024xi32>
    %lt3A_1001 = arith.cmpf olt, %add3A_997, %select_n3A_990 : vector<8x1024xf32>
    %select_n3A_1002 = arith.select %lt3A_1001, %add3A_997, %select_n3A_990 : vector<8x1024xi1>, vector<8x1024xf32>
    %select_n3A_1003 = arith.select %lt3A_1001, %add3A_1000, %select_n3A_991 : vector<8x1024xi1>, vector<8x1024xi32>
    %slice3A_1004 = vector.extract_strided_slice %dot_general3A_9 {offsets = [664, 0], sizes = [8, 1], strides = [1, 1]} : vector<1024x1xf32> to vector<8x1xf32>
    %add3A_1005 = vector.broadcast %dot_general3A_6 : vector<1x1024xf32> to vector<8x1024xf32>
    %add3A_1006 = vector.broadcast %slice3A_1004 : vector<8x1xf32> to vector<8x1024xf32>
    %add3A_1007 = arith.addf %add3A_1005, %add3A_1006 : vector<8x1024xf32>
    %slice3A_1008 = vector.extract_strided_slice %dot_general3A_14 {offsets = [664, 0], sizes = [8, 1024], strides = [1, 1]} : vector<1024x1024xf32> to vector<8x1024xf32>
    %add3A_1009 = arith.addf %add3A_1007, %slice3A_1008 : vector<8x1024xf32>
    %add3A_1010 = arith.constant 664 : i32
    %add3A_1011 = vector.broadcast %add3A_1010 : i32 to vector<8x1024xi32>
    %add3A_1012 = arith.addi %iota3A, %add3A_1011 : vector<8x1024xi32>
    %lt3A_1013 = arith.cmpf olt, %add3A_1009, %select_n3A_1002 : vector<8x1024xf32>
    %select_n3A_1014 = arith.select %lt3A_1013, %add3A_1009, %select_n3A_1002 : vector<8x1024xi1>, vector<8x1024xf32>
    %select_n3A_1015 = arith.select %lt3A_1013, %add3A_1012, %select_n3A_1003 : vector<8x1024xi1>, vector<8x1024xi32>
    %slice3A_1016 = vector.extract_strided_slice %dot_general3A_9 {offsets = [672, 0], sizes = [8, 1], strides = [1, 1]} : vector<1024x1xf32> to vector<8x1xf32>
    %add3A_1017 = vector.broadcast %dot_general3A_6 : vector<1x1024xf32> to vector<8x1024xf32>
    %add3A_1018 = vector.broadcast %slice3A_1016 : vector<8x1xf32> to vector<8x1024xf32>
    %add3A_1019 = arith.addf %add3A_1017, %add3A_1018 : vector<8x1024xf32>
    %slice3A_1020 = vector.extract_strided_slice %dot_general3A_14 {offsets = [672, 0], sizes = [8, 1024], strides = [1, 1]} : vector<1024x1024xf32> to vector<8x1024xf32>
    %add3A_1021 = arith.addf %add3A_1019, %slice3A_1020 : vector<8x1024xf32>
    %add3A_1022 = arith.constant 672 : i32
    %add3A_1023 = vector.broadcast %add3A_1022 : i32 to vector<8x1024xi32>
    %add3A_1024 = arith.addi %iota3A, %add3A_1023 : vector<8x1024xi32>
    %lt3A_1025 = arith.cmpf olt, %add3A_1021, %select_n3A_1014 : vector<8x1024xf32>
    %select_n3A_1026 = arith.select %lt3A_1025, %add3A_1021, %select_n3A_1014 : vector<8x1024xi1>, vector<8x1024xf32>
    %select_n3A_1027 = arith.select %lt3A_1025, %add3A_1024, %select_n3A_1015 : vector<8x1024xi1>, vector<8x1024xi32>
    %slice3A_1028 = vector.extract_strided_slice %dot_general3A_9 {offsets = [680, 0], sizes = [8, 1], strides = [1, 1]} : vector<1024x1xf32> to vector<8x1xf32>
    %add3A_1029 = vector.broadcast %dot_general3A_6 : vector<1x1024xf32> to vector<8x1024xf32>
    %add3A_1030 = vector.broadcast %slice3A_1028 : vector<8x1xf32> to vector<8x1024xf32>
    %add3A_1031 = arith.addf %add3A_1029, %add3A_1030 : vector<8x1024xf32>
    %slice3A_1032 = vector.extract_strided_slice %dot_general3A_14 {offsets = [680, 0], sizes = [8, 1024], strides = [1, 1]} : vector<1024x1024xf32> to vector<8x1024xf32>
    %add3A_1033 = arith.addf %add3A_1031, %slice3A_1032 : vector<8x1024xf32>
    %add3A_1034 = arith.constant 680 : i32
    %add3A_1035 = vector.broadcast %add3A_1034 : i32 to vector<8x1024xi32>
    %add3A_1036 = arith.addi %iota3A, %add3A_1035 : vector<8x1024xi32>
    %lt3A_1037 = arith.cmpf olt, %add3A_1033, %select_n3A_1026 : vector<8x1024xf32>
    %select_n3A_1038 = arith.select %lt3A_1037, %add3A_1033, %select_n3A_1026 : vector<8x1024xi1>, vector<8x1024xf32>
    %select_n3A_1039 = arith.select %lt3A_1037, %add3A_1036, %select_n3A_1027 : vector<8x1024xi1>, vector<8x1024xi32>
    %slice3A_1040 = vector.extract_strided_slice %dot_general3A_9 {offsets = [688, 0], sizes = [8, 1], strides = [1, 1]} : vector<1024x1xf32> to vector<8x1xf32>
    %add3A_1041 = vector.broadcast %dot_general3A_6 : vector<1x1024xf32> to vector<8x1024xf32>
    %add3A_1042 = vector.broadcast %slice3A_1040 : vector<8x1xf32> to vector<8x1024xf32>
    %add3A_1043 = arith.addf %add3A_1041, %add3A_1042 : vector<8x1024xf32>
    %slice3A_1044 = vector.extract_strided_slice %dot_general3A_14 {offsets = [688, 0], sizes = [8, 1024], strides = [1, 1]} : vector<1024x1024xf32> to vector<8x1024xf32>
    %add3A_1045 = arith.addf %add3A_1043, %slice3A_1044 : vector<8x1024xf32>
    %add3A_1046 = arith.constant 688 : i32
    %add3A_1047 = vector.broadcast %add3A_1046 : i32 to vector<8x1024xi32>
    %add3A_1048 = arith.addi %iota3A, %add3A_1047 : vector<8x1024xi32>
    %lt3A_1049 = arith.cmpf olt, %add3A_1045, %select_n3A_1038 : vector<8x1024xf32>
    %select_n3A_1050 = arith.select %lt3A_1049, %add3A_1045, %select_n3A_1038 : vector<8x1024xi1>, vector<8x1024xf32>
    %select_n3A_1051 = arith.select %lt3A_1049, %add3A_1048, %select_n3A_1039 : vector<8x1024xi1>, vector<8x1024xi32>
    %slice3A_1052 = vector.extract_strided_slice %dot_general3A_9 {offsets = [696, 0], sizes = [8, 1], strides = [1, 1]} : vector<1024x1xf32> to vector<8x1xf32>
    %add3A_1053 = vector.broadcast %dot_general3A_6 : vector<1x1024xf32> to vector<8x1024xf32>
    %add3A_1054 = vector.broadcast %slice3A_1052 : vector<8x1xf32> to vector<8x1024xf32>
    %add3A_1055 = arith.addf %add3A_1053, %add3A_1054 : vector<8x1024xf32>
    %slice3A_1056 = vector.extract_strided_slice %dot_general3A_14 {offsets = [696, 0], sizes = [8, 1024], strides = [1, 1]} : vector<1024x1024xf32> to vector<8x1024xf32>
    %add3A_1057 = arith.addf %add3A_1055, %slice3A_1056 : vector<8x1024xf32>
    %add3A_1058 = arith.constant 696 : i32
    %add3A_1059 = vector.broadcast %add3A_1058 : i32 to vector<8x1024xi32>
    %add3A_1060 = arith.addi %iota3A, %add3A_1059 : vector<8x1024xi32>
    %lt3A_1061 = arith.cmpf olt, %add3A_1057, %select_n3A_1050 : vector<8x1024xf32>
    %select_n3A_1062 = arith.select %lt3A_1061, %add3A_1057, %select_n3A_1050 : vector<8x1024xi1>, vector<8x1024xf32>
    %select_n3A_1063 = arith.select %lt3A_1061, %add3A_1060, %select_n3A_1051 : vector<8x1024xi1>, vector<8x1024xi32>
    %slice3A_1064 = vector.extract_strided_slice %dot_general3A_9 {offsets = [704, 0], sizes = [8, 1], strides = [1, 1]} : vector<1024x1xf32> to vector<8x1xf32>
    %add3A_1065 = vector.broadcast %dot_general3A_6 : vector<1x1024xf32> to vector<8x1024xf32>
    %add3A_1066 = vector.broadcast %slice3A_1064 : vector<8x1xf32> to vector<8x1024xf32>
    %add3A_1067 = arith.addf %add3A_1065, %add3A_1066 : vector<8x1024xf32>
    %slice3A_1068 = vector.extract_strided_slice %dot_general3A_14 {offsets = [704, 0], sizes = [8, 1024], strides = [1, 1]} : vector<1024x1024xf32> to vector<8x1024xf32>
    %add3A_1069 = arith.addf %add3A_1067, %slice3A_1068 : vector<8x1024xf32>
    %add3A_1070 = arith.constant 704 : i32
    %add3A_1071 = vector.broadcast %add3A_1070 : i32 to vector<8x1024xi32>
    %add3A_1072 = arith.addi %iota3A, %add3A_1071 : vector<8x1024xi32>
    %lt3A_1073 = arith.cmpf olt, %add3A_1069, %select_n3A_1062 : vector<8x1024xf32>
    %select_n3A_1074 = arith.select %lt3A_1073, %add3A_1069, %select_n3A_1062 : vector<8x1024xi1>, vector<8x1024xf32>
    %select_n3A_1075 = arith.select %lt3A_1073, %add3A_1072, %select_n3A_1063 : vector<8x1024xi1>, vector<8x1024xi32>
    %slice3A_1076 = vector.extract_strided_slice %dot_general3A_9 {offsets = [712, 0], sizes = [8, 1], strides = [1, 1]} : vector<1024x1xf32> to vector<8x1xf32>
    %add3A_1077 = vector.broadcast %dot_general3A_6 : vector<1x1024xf32> to vector<8x1024xf32>
    %add3A_1078 = vector.broadcast %slice3A_1076 : vector<8x1xf32> to vector<8x1024xf32>
    %add3A_1079 = arith.addf %add3A_1077, %add3A_1078 : vector<8x1024xf32>
    %slice3A_1080 = vector.extract_strided_slice %dot_general3A_14 {offsets = [712, 0], sizes = [8, 1024], strides = [1, 1]} : vector<1024x1024xf32> to vector<8x1024xf32>
    %add3A_1081 = arith.addf %add3A_1079, %slice3A_1080 : vector<8x1024xf32>
    %add3A_1082 = arith.constant 712 : i32
    %add3A_1083 = vector.broadcast %add3A_1082 : i32 to vector<8x1024xi32>
    %add3A_1084 = arith.addi %iota3A, %add3A_1083 : vector<8x1024xi32>
    %lt3A_1085 = arith.cmpf olt, %add3A_1081, %select_n3A_1074 : vector<8x1024xf32>
    %select_n3A_1086 = arith.select %lt3A_1085, %add3A_1081, %select_n3A_1074 : vector<8x1024xi1>, vector<8x1024xf32>
    %select_n3A_1087 = arith.select %lt3A_1085, %add3A_1084, %select_n3A_1075 : vector<8x1024xi1>, vector<8x1024xi32>
    %slice3A_1088 = vector.extract_strided_slice %dot_general3A_9 {offsets = [720, 0], sizes = [8, 1], strides = [1, 1]} : vector<1024x1xf32> to vector<8x1xf32>
    %add3A_1089 = vector.broadcast %dot_general3A_6 : vector<1x1024xf32> to vector<8x1024xf32>
    %add3A_1090 = vector.broadcast %slice3A_1088 : vector<8x1xf32> to vector<8x1024xf32>
    %add3A_1091 = arith.addf %add3A_1089, %add3A_1090 : vector<8x1024xf32>
    %slice3A_1092 = vector.extract_strided_slice %dot_general3A_14 {offsets = [720, 0], sizes = [8, 1024], strides = [1, 1]} : vector<1024x1024xf32> to vector<8x1024xf32>
    %add3A_1093 = arith.addf %add3A_1091, %slice3A_1092 : vector<8x1024xf32>
    %add3A_1094 = arith.constant 720 : i32
    %add3A_1095 = vector.broadcast %add3A_1094 : i32 to vector<8x1024xi32>
    %add3A_1096 = arith.addi %iota3A, %add3A_1095 : vector<8x1024xi32>
    %lt3A_1097 = arith.cmpf olt, %add3A_1093, %select_n3A_1086 : vector<8x1024xf32>
    %select_n3A_1098 = arith.select %lt3A_1097, %add3A_1093, %select_n3A_1086 : vector<8x1024xi1>, vector<8x1024xf32>
    %select_n3A_1099 = arith.select %lt3A_1097, %add3A_1096, %select_n3A_1087 : vector<8x1024xi1>, vector<8x1024xi32>
    %slice3A_1100 = vector.extract_strided_slice %dot_general3A_9 {offsets = [728, 0], sizes = [8, 1], strides = [1, 1]} : vector<1024x1xf32> to vector<8x1xf32>
    %add3A_1101 = vector.broadcast %dot_general3A_6 : vector<1x1024xf32> to vector<8x1024xf32>
    %add3A_1102 = vector.broadcast %slice3A_1100 : vector<8x1xf32> to vector<8x1024xf32>
    %add3A_1103 = arith.addf %add3A_1101, %add3A_1102 : vector<8x1024xf32>
    %slice3A_1104 = vector.extract_strided_slice %dot_general3A_14 {offsets = [728, 0], sizes = [8, 1024], strides = [1, 1]} : vector<1024x1024xf32> to vector<8x1024xf32>
    %add3A_1105 = arith.addf %add3A_1103, %slice3A_1104 : vector<8x1024xf32>
    %add3A_1106 = arith.constant 728 : i32
    %add3A_1107 = vector.broadcast %add3A_1106 : i32 to vector<8x1024xi32>
    %add3A_1108 = arith.addi %iota3A, %add3A_1107 : vector<8x1024xi32>
    %lt3A_1109 = arith.cmpf olt, %add3A_1105, %select_n3A_1098 : vector<8x1024xf32>
    %select_n3A_1110 = arith.select %lt3A_1109, %add3A_1105, %select_n3A_1098 : vector<8x1024xi1>, vector<8x1024xf32>
    %select_n3A_1111 = arith.select %lt3A_1109, %add3A_1108, %select_n3A_1099 : vector<8x1024xi1>, vector<8x1024xi32>
    %slice3A_1112 = vector.extract_strided_slice %dot_general3A_9 {offsets = [736, 0], sizes = [8, 1], strides = [1, 1]} : vector<1024x1xf32> to vector<8x1xf32>
    %add3A_1113 = vector.broadcast %dot_general3A_6 : vector<1x1024xf32> to vector<8x1024xf32>
    %add3A_1114 = vector.broadcast %slice3A_1112 : vector<8x1xf32> to vector<8x1024xf32>
    %add3A_1115 = arith.addf %add3A_1113, %add3A_1114 : vector<8x1024xf32>
    %slice3A_1116 = vector.extract_strided_slice %dot_general3A_14 {offsets = [736, 0], sizes = [8, 1024], strides = [1, 1]} : vector<1024x1024xf32> to vector<8x1024xf32>
    %add3A_1117 = arith.addf %add3A_1115, %slice3A_1116 : vector<8x1024xf32>
    %add3A_1118 = arith.constant 736 : i32
    %add3A_1119 = vector.broadcast %add3A_1118 : i32 to vector<8x1024xi32>
    %add3A_1120 = arith.addi %iota3A, %add3A_1119 : vector<8x1024xi32>
    %lt3A_1121 = arith.cmpf olt, %add3A_1117, %select_n3A_1110 : vector<8x1024xf32>
    %select_n3A_1122 = arith.select %lt3A_1121, %add3A_1117, %select_n3A_1110 : vector<8x1024xi1>, vector<8x1024xf32>
    %select_n3A_1123 = arith.select %lt3A_1121, %add3A_1120, %select_n3A_1111 : vector<8x1024xi1>, vector<8x1024xi32>
    %slice3A_1124 = vector.extract_strided_slice %dot_general3A_9 {offsets = [744, 0], sizes = [8, 1], strides = [1, 1]} : vector<1024x1xf32> to vector<8x1xf32>
    %add3A_1125 = vector.broadcast %dot_general3A_6 : vector<1x1024xf32> to vector<8x1024xf32>
    %add3A_1126 = vector.broadcast %slice3A_1124 : vector<8x1xf32> to vector<8x1024xf32>
    %add3A_1127 = arith.addf %add3A_1125, %add3A_1126 : vector<8x1024xf32>
    %slice3A_1128 = vector.extract_strided_slice %dot_general3A_14 {offsets = [744, 0], sizes = [8, 1024], strides = [1, 1]} : vector<1024x1024xf32> to vector<8x1024xf32>
    %add3A_1129 = arith.addf %add3A_1127, %slice3A_1128 : vector<8x1024xf32>
    %add3A_1130 = arith.constant 744 : i32
    %add3A_1131 = vector.broadcast %add3A_1130 : i32 to vector<8x1024xi32>
    %add3A_1132 = arith.addi %iota3A, %add3A_1131 : vector<8x1024xi32>
    %lt3A_1133 = arith.cmpf olt, %add3A_1129, %select_n3A_1122 : vector<8x1024xf32>
    %select_n3A_1134 = arith.select %lt3A_1133, %add3A_1129, %select_n3A_1122 : vector<8x1024xi1>, vector<8x1024xf32>
    %select_n3A_1135 = arith.select %lt3A_1133, %add3A_1132, %select_n3A_1123 : vector<8x1024xi1>, vector<8x1024xi32>
    %slice3A_1136 = vector.extract_strided_slice %dot_general3A_9 {offsets = [752, 0], sizes = [8, 1], strides = [1, 1]} : vector<1024x1xf32> to vector<8x1xf32>
    %add3A_1137 = vector.broadcast %dot_general3A_6 : vector<1x1024xf32> to vector<8x1024xf32>
    %add3A_1138 = vector.broadcast %slice3A_1136 : vector<8x1xf32> to vector<8x1024xf32>
    %add3A_1139 = arith.addf %add3A_1137, %add3A_1138 : vector<8x1024xf32>
    %slice3A_1140 = vector.extract_strided_slice %dot_general3A_14 {offsets = [752, 0], sizes = [8, 1024], strides = [1, 1]} : vector<1024x1024xf32> to vector<8x1024xf32>
    %add3A_1141 = arith.addf %add3A_1139, %slice3A_1140 : vector<8x1024xf32>
    %add3A_1142 = arith.constant 752 : i32
    %add3A_1143 = vector.broadcast %add3A_1142 : i32 to vector<8x1024xi32>
    %add3A_1144 = arith.addi %iota3A, %add3A_1143 : vector<8x1024xi32>
    %lt3A_1145 = arith.cmpf olt, %add3A_1141, %select_n3A_1134 : vector<8x1024xf32>
    %select_n3A_1146 = arith.select %lt3A_1145, %add3A_1141, %select_n3A_1134 : vector<8x1024xi1>, vector<8x1024xf32>
    %select_n3A_1147 = arith.select %lt3A_1145, %add3A_1144, %select_n3A_1135 : vector<8x1024xi1>, vector<8x1024xi32>
    %slice3A_1148 = vector.extract_strided_slice %dot_general3A_9 {offsets = [760, 0], sizes = [8, 1], strides = [1, 1]} : vector<1024x1xf32> to vector<8x1xf32>
    %add3A_1149 = vector.broadcast %dot_general3A_6 : vector<1x1024xf32> to vector<8x1024xf32>
    %add3A_1150 = vector.broadcast %slice3A_1148 : vector<8x1xf32> to vector<8x1024xf32>
    %add3A_1151 = arith.addf %add3A_1149, %add3A_1150 : vector<8x1024xf32>
    %slice3A_1152 = vector.extract_strided_slice %dot_general3A_14 {offsets = [760, 0], sizes = [8, 1024], strides = [1, 1]} : vector<1024x1024xf32> to vector<8x1024xf32>
    %add3A_1153 = arith.addf %add3A_1151, %slice3A_1152 : vector<8x1024xf32>
    %add3A_1154 = arith.constant 760 : i32
    %add3A_1155 = vector.broadcast %add3A_1154 : i32 to vector<8x1024xi32>
    %add3A_1156 = arith.addi %iota3A, %add3A_1155 : vector<8x1024xi32>
    %lt3A_1157 = arith.cmpf olt, %add3A_1153, %select_n3A_1146 : vector<8x1024xf32>
    %select_n3A_1158 = arith.select %lt3A_1157, %add3A_1153, %select_n3A_1146 : vector<8x1024xi1>, vector<8x1024xf32>
    %select_n3A_1159 = arith.select %lt3A_1157, %add3A_1156, %select_n3A_1147 : vector<8x1024xi1>, vector<8x1024xi32>
    %slice3A_1160 = vector.extract_strided_slice %dot_general3A_9 {offsets = [768, 0], sizes = [8, 1], strides = [1, 1]} : vector<1024x1xf32> to vector<8x1xf32>
    %add3A_1161 = vector.broadcast %dot_general3A_6 : vector<1x1024xf32> to vector<8x1024xf32>
    %add3A_1162 = vector.broadcast %slice3A_1160 : vector<8x1xf32> to vector<8x1024xf32>
    %add3A_1163 = arith.addf %add3A_1161, %add3A_1162 : vector<8x1024xf32>
    %slice3A_1164 = vector.extract_strided_slice %dot_general3A_14 {offsets = [768, 0], sizes = [8, 1024], strides = [1, 1]} : vector<1024x1024xf32> to vector<8x1024xf32>
    %add3A_1165 = arith.addf %add3A_1163, %slice3A_1164 : vector<8x1024xf32>
    %add3A_1166 = arith.constant 768 : i32
    %add3A_1167 = vector.broadcast %add3A_1166 : i32 to vector<8x1024xi32>
    %add3A_1168 = arith.addi %iota3A, %add3A_1167 : vector<8x1024xi32>
    %lt3A_1169 = arith.cmpf olt, %add3A_1165, %select_n3A_1158 : vector<8x1024xf32>
    %select_n3A_1170 = arith.select %lt3A_1169, %add3A_1165, %select_n3A_1158 : vector<8x1024xi1>, vector<8x1024xf32>
    %select_n3A_1171 = arith.select %lt3A_1169, %add3A_1168, %select_n3A_1159 : vector<8x1024xi1>, vector<8x1024xi32>
    %slice3A_1172 = vector.extract_strided_slice %dot_general3A_9 {offsets = [776, 0], sizes = [8, 1], strides = [1, 1]} : vector<1024x1xf32> to vector<8x1xf32>
    %add3A_1173 = vector.broadcast %dot_general3A_6 : vector<1x1024xf32> to vector<8x1024xf32>
    %add3A_1174 = vector.broadcast %slice3A_1172 : vector<8x1xf32> to vector<8x1024xf32>
    %add3A_1175 = arith.addf %add3A_1173, %add3A_1174 : vector<8x1024xf32>
    %slice3A_1176 = vector.extract_strided_slice %dot_general3A_14 {offsets = [776, 0], sizes = [8, 1024], strides = [1, 1]} : vector<1024x1024xf32> to vector<8x1024xf32>
    %add3A_1177 = arith.addf %add3A_1175, %slice3A_1176 : vector<8x1024xf32>
    %add3A_1178 = arith.constant 776 : i32
    %add3A_1179 = vector.broadcast %add3A_1178 : i32 to vector<8x1024xi32>
    %add3A_1180 = arith.addi %iota3A, %add3A_1179 : vector<8x1024xi32>
    %lt3A_1181 = arith.cmpf olt, %add3A_1177, %select_n3A_1170 : vector<8x1024xf32>
    %select_n3A_1182 = arith.select %lt3A_1181, %add3A_1177, %select_n3A_1170 : vector<8x1024xi1>, vector<8x1024xf32>
    %select_n3A_1183 = arith.select %lt3A_1181, %add3A_1180, %select_n3A_1171 : vector<8x1024xi1>, vector<8x1024xi32>
    %slice3A_1184 = vector.extract_strided_slice %dot_general3A_9 {offsets = [784, 0], sizes = [8, 1], strides = [1, 1]} : vector<1024x1xf32> to vector<8x1xf32>
    %add3A_1185 = vector.broadcast %dot_general3A_6 : vector<1x1024xf32> to vector<8x1024xf32>
    %add3A_1186 = vector.broadcast %slice3A_1184 : vector<8x1xf32> to vector<8x1024xf32>
    %add3A_1187 = arith.addf %add3A_1185, %add3A_1186 : vector<8x1024xf32>
    %slice3A_1188 = vector.extract_strided_slice %dot_general3A_14 {offsets = [784, 0], sizes = [8, 1024], strides = [1, 1]} : vector<1024x1024xf32> to vector<8x1024xf32>
    %add3A_1189 = arith.addf %add3A_1187, %slice3A_1188 : vector<8x1024xf32>
    %add3A_1190 = arith.constant 784 : i32
    %add3A_1191 = vector.broadcast %add3A_1190 : i32 to vector<8x1024xi32>
    %add3A_1192 = arith.addi %iota3A, %add3A_1191 : vector<8x1024xi32>
    %lt3A_1193 = arith.cmpf olt, %add3A_1189, %select_n3A_1182 : vector<8x1024xf32>
    %select_n3A_1194 = arith.select %lt3A_1193, %add3A_1189, %select_n3A_1182 : vector<8x1024xi1>, vector<8x1024xf32>
    %select_n3A_1195 = arith.select %lt3A_1193, %add3A_1192, %select_n3A_1183 : vector<8x1024xi1>, vector<8x1024xi32>
    %slice3A_1196 = vector.extract_strided_slice %dot_general3A_9 {offsets = [792, 0], sizes = [8, 1], strides = [1, 1]} : vector<1024x1xf32> to vector<8x1xf32>
    %add3A_1197 = vector.broadcast %dot_general3A_6 : vector<1x1024xf32> to vector<8x1024xf32>
    %add3A_1198 = vector.broadcast %slice3A_1196 : vector<8x1xf32> to vector<8x1024xf32>
    %add3A_1199 = arith.addf %add3A_1197, %add3A_1198 : vector<8x1024xf32>
    %slice3A_1200 = vector.extract_strided_slice %dot_general3A_14 {offsets = [792, 0], sizes = [8, 1024], strides = [1, 1]} : vector<1024x1024xf32> to vector<8x1024xf32>
    %add3A_1201 = arith.addf %add3A_1199, %slice3A_1200 : vector<8x1024xf32>
    %add3A_1202 = arith.constant 792 : i32
    %add3A_1203 = vector.broadcast %add3A_1202 : i32 to vector<8x1024xi32>
    %add3A_1204 = arith.addi %iota3A, %add3A_1203 : vector<8x1024xi32>
    %lt3A_1205 = arith.cmpf olt, %add3A_1201, %select_n3A_1194 : vector<8x1024xf32>
    %select_n3A_1206 = arith.select %lt3A_1205, %add3A_1201, %select_n3A_1194 : vector<8x1024xi1>, vector<8x1024xf32>
    %select_n3A_1207 = arith.select %lt3A_1205, %add3A_1204, %select_n3A_1195 : vector<8x1024xi1>, vector<8x1024xi32>
    %slice3A_1208 = vector.extract_strided_slice %dot_general3A_9 {offsets = [800, 0], sizes = [8, 1], strides = [1, 1]} : vector<1024x1xf32> to vector<8x1xf32>
    %add3A_1209 = vector.broadcast %dot_general3A_6 : vector<1x1024xf32> to vector<8x1024xf32>
    %add3A_1210 = vector.broadcast %slice3A_1208 : vector<8x1xf32> to vector<8x1024xf32>
    %add3A_1211 = arith.addf %add3A_1209, %add3A_1210 : vector<8x1024xf32>
    %slice3A_1212 = vector.extract_strided_slice %dot_general3A_14 {offsets = [800, 0], sizes = [8, 1024], strides = [1, 1]} : vector<1024x1024xf32> to vector<8x1024xf32>
    %add3A_1213 = arith.addf %add3A_1211, %slice3A_1212 : vector<8x1024xf32>
    %add3A_1214 = arith.constant 800 : i32
    %add3A_1215 = vector.broadcast %add3A_1214 : i32 to vector<8x1024xi32>
    %add3A_1216 = arith.addi %iota3A, %add3A_1215 : vector<8x1024xi32>
    %lt3A_1217 = arith.cmpf olt, %add3A_1213, %select_n3A_1206 : vector<8x1024xf32>
    %select_n3A_1218 = arith.select %lt3A_1217, %add3A_1213, %select_n3A_1206 : vector<8x1024xi1>, vector<8x1024xf32>
    %select_n3A_1219 = arith.select %lt3A_1217, %add3A_1216, %select_n3A_1207 : vector<8x1024xi1>, vector<8x1024xi32>
    %slice3A_1220 = vector.extract_strided_slice %dot_general3A_9 {offsets = [808, 0], sizes = [8, 1], strides = [1, 1]} : vector<1024x1xf32> to vector<8x1xf32>
    %add3A_1221 = vector.broadcast %dot_general3A_6 : vector<1x1024xf32> to vector<8x1024xf32>
    %add3A_1222 = vector.broadcast %slice3A_1220 : vector<8x1xf32> to vector<8x1024xf32>
    %add3A_1223 = arith.addf %add3A_1221, %add3A_1222 : vector<8x1024xf32>
    %slice3A_1224 = vector.extract_strided_slice %dot_general3A_14 {offsets = [808, 0], sizes = [8, 1024], strides = [1, 1]} : vector<1024x1024xf32> to vector<8x1024xf32>
    %add3A_1225 = arith.addf %add3A_1223, %slice3A_1224 : vector<8x1024xf32>
    %add3A_1226 = arith.constant 808 : i32
    %add3A_1227 = vector.broadcast %add3A_1226 : i32 to vector<8x1024xi32>
    %add3A_1228 = arith.addi %iota3A, %add3A_1227 : vector<8x1024xi32>
    %lt3A_1229 = arith.cmpf olt, %add3A_1225, %select_n3A_1218 : vector<8x1024xf32>
    %select_n3A_1230 = arith.select %lt3A_1229, %add3A_1225, %select_n3A_1218 : vector<8x1024xi1>, vector<8x1024xf32>
    %select_n3A_1231 = arith.select %lt3A_1229, %add3A_1228, %select_n3A_1219 : vector<8x1024xi1>, vector<8x1024xi32>
    %slice3A_1232 = vector.extract_strided_slice %dot_general3A_9 {offsets = [816, 0], sizes = [8, 1], strides = [1, 1]} : vector<1024x1xf32> to vector<8x1xf32>
    %add3A_1233 = vector.broadcast %dot_general3A_6 : vector<1x1024xf32> to vector<8x1024xf32>
    %add3A_1234 = vector.broadcast %slice3A_1232 : vector<8x1xf32> to vector<8x1024xf32>
    %add3A_1235 = arith.addf %add3A_1233, %add3A_1234 : vector<8x1024xf32>
    %slice3A_1236 = vector.extract_strided_slice %dot_general3A_14 {offsets = [816, 0], sizes = [8, 1024], strides = [1, 1]} : vector<1024x1024xf32> to vector<8x1024xf32>
    %add3A_1237 = arith.addf %add3A_1235, %slice3A_1236 : vector<8x1024xf32>
    %add3A_1238 = arith.constant 816 : i32
    %add3A_1239 = vector.broadcast %add3A_1238 : i32 to vector<8x1024xi32>
    %add3A_1240 = arith.addi %iota3A, %add3A_1239 : vector<8x1024xi32>
    %lt3A_1241 = arith.cmpf olt, %add3A_1237, %select_n3A_1230 : vector<8x1024xf32>
    %select_n3A_1242 = arith.select %lt3A_1241, %add3A_1237, %select_n3A_1230 : vector<8x1024xi1>, vector<8x1024xf32>
    %select_n3A_1243 = arith.select %lt3A_1241, %add3A_1240, %select_n3A_1231 : vector<8x1024xi1>, vector<8x1024xi32>
    %slice3A_1244 = vector.extract_strided_slice %dot_general3A_9 {offsets = [824, 0], sizes = [8, 1], strides = [1, 1]} : vector<1024x1xf32> to vector<8x1xf32>
    %add3A_1245 = vector.broadcast %dot_general3A_6 : vector<1x1024xf32> to vector<8x1024xf32>
    %add3A_1246 = vector.broadcast %slice3A_1244 : vector<8x1xf32> to vector<8x1024xf32>
    %add3A_1247 = arith.addf %add3A_1245, %add3A_1246 : vector<8x1024xf32>
    %slice3A_1248 = vector.extract_strided_slice %dot_general3A_14 {offsets = [824, 0], sizes = [8, 1024], strides = [1, 1]} : vector<1024x1024xf32> to vector<8x1024xf32>
    %add3A_1249 = arith.addf %add3A_1247, %slice3A_1248 : vector<8x1024xf32>
    %add3A_1250 = arith.constant 824 : i32
    %add3A_1251 = vector.broadcast %add3A_1250 : i32 to vector<8x1024xi32>
    %add3A_1252 = arith.addi %iota3A, %add3A_1251 : vector<8x1024xi32>
    %lt3A_1253 = arith.cmpf olt, %add3A_1249, %select_n3A_1242 : vector<8x1024xf32>
    %select_n3A_1254 = arith.select %lt3A_1253, %add3A_1249, %select_n3A_1242 : vector<8x1024xi1>, vector<8x1024xf32>
    %select_n3A_1255 = arith.select %lt3A_1253, %add3A_1252, %select_n3A_1243 : vector<8x1024xi1>, vector<8x1024xi32>
    %slice3A_1256 = vector.extract_strided_slice %dot_general3A_9 {offsets = [832, 0], sizes = [8, 1], strides = [1, 1]} : vector<1024x1xf32> to vector<8x1xf32>
    %add3A_1257 = vector.broadcast %dot_general3A_6 : vector<1x1024xf32> to vector<8x1024xf32>
    %add3A_1258 = vector.broadcast %slice3A_1256 : vector<8x1xf32> to vector<8x1024xf32>
    %add3A_1259 = arith.addf %add3A_1257, %add3A_1258 : vector<8x1024xf32>
    %slice3A_1260 = vector.extract_strided_slice %dot_general3A_14 {offsets = [832, 0], sizes = [8, 1024], strides = [1, 1]} : vector<1024x1024xf32> to vector<8x1024xf32>
    %add3A_1261 = arith.addf %add3A_1259, %slice3A_1260 : vector<8x1024xf32>
    %add3A_1262 = arith.constant 832 : i32
    %add3A_1263 = vector.broadcast %add3A_1262 : i32 to vector<8x1024xi32>
    %add3A_1264 = arith.addi %iota3A, %add3A_1263 : vector<8x1024xi32>
    %lt3A_1265 = arith.cmpf olt, %add3A_1261, %select_n3A_1254 : vector<8x1024xf32>
    %select_n3A_1266 = arith.select %lt3A_1265, %add3A_1261, %select_n3A_1254 : vector<8x1024xi1>, vector<8x1024xf32>
    %select_n3A_1267 = arith.select %lt3A_1265, %add3A_1264, %select_n3A_1255 : vector<8x1024xi1>, vector<8x1024xi32>
    %slice3A_1268 = vector.extract_strided_slice %dot_general3A_9 {offsets = [840, 0], sizes = [8, 1], strides = [1, 1]} : vector<1024x1xf32> to vector<8x1xf32>
    %add3A_1269 = vector.broadcast %dot_general3A_6 : vector<1x1024xf32> to vector<8x1024xf32>
    %add3A_1270 = vector.broadcast %slice3A_1268 : vector<8x1xf32> to vector<8x1024xf32>
    %add3A_1271 = arith.addf %add3A_1269, %add3A_1270 : vector<8x1024xf32>
    %slice3A_1272 = vector.extract_strided_slice %dot_general3A_14 {offsets = [840, 0], sizes = [8, 1024], strides = [1, 1]} : vector<1024x1024xf32> to vector<8x1024xf32>
    %add3A_1273 = arith.addf %add3A_1271, %slice3A_1272 : vector<8x1024xf32>
    %add3A_1274 = arith.constant 840 : i32
    %add3A_1275 = vector.broadcast %add3A_1274 : i32 to vector<8x1024xi32>
    %add3A_1276 = arith.addi %iota3A, %add3A_1275 : vector<8x1024xi32>
    %lt3A_1277 = arith.cmpf olt, %add3A_1273, %select_n3A_1266 : vector<8x1024xf32>
    %select_n3A_1278 = arith.select %lt3A_1277, %add3A_1273, %select_n3A_1266 : vector<8x1024xi1>, vector<8x1024xf32>
    %select_n3A_1279 = arith.select %lt3A_1277, %add3A_1276, %select_n3A_1267 : vector<8x1024xi1>, vector<8x1024xi32>
    %slice3A_1280 = vector.extract_strided_slice %dot_general3A_9 {offsets = [848, 0], sizes = [8, 1], strides = [1, 1]} : vector<1024x1xf32> to vector<8x1xf32>
    %add3A_1281 = vector.broadcast %dot_general3A_6 : vector<1x1024xf32> to vector<8x1024xf32>
    %add3A_1282 = vector.broadcast %slice3A_1280 : vector<8x1xf32> to vector<8x1024xf32>
    %add3A_1283 = arith.addf %add3A_1281, %add3A_1282 : vector<8x1024xf32>
    %slice3A_1284 = vector.extract_strided_slice %dot_general3A_14 {offsets = [848, 0], sizes = [8, 1024], strides = [1, 1]} : vector<1024x1024xf32> to vector<8x1024xf32>
    %add3A_1285 = arith.addf %add3A_1283, %slice3A_1284 : vector<8x1024xf32>
    %add3A_1286 = arith.constant 848 : i32
    %add3A_1287 = vector.broadcast %add3A_1286 : i32 to vector<8x1024xi32>
    %add3A_1288 = arith.addi %iota3A, %add3A_1287 : vector<8x1024xi32>
    %lt3A_1289 = arith.cmpf olt, %add3A_1285, %select_n3A_1278 : vector<8x1024xf32>
    %select_n3A_1290 = arith.select %lt3A_1289, %add3A_1285, %select_n3A_1278 : vector<8x1024xi1>, vector<8x1024xf32>
    %select_n3A_1291 = arith.select %lt3A_1289, %add3A_1288, %select_n3A_1279 : vector<8x1024xi1>, vector<8x1024xi32>
    %slice3A_1292 = vector.extract_strided_slice %dot_general3A_9 {offsets = [856, 0], sizes = [8, 1], strides = [1, 1]} : vector<1024x1xf32> to vector<8x1xf32>
    %add3A_1293 = vector.broadcast %dot_general3A_6 : vector<1x1024xf32> to vector<8x1024xf32>
    %add3A_1294 = vector.broadcast %slice3A_1292 : vector<8x1xf32> to vector<8x1024xf32>
    %add3A_1295 = arith.addf %add3A_1293, %add3A_1294 : vector<8x1024xf32>
    %slice3A_1296 = vector.extract_strided_slice %dot_general3A_14 {offsets = [856, 0], sizes = [8, 1024], strides = [1, 1]} : vector<1024x1024xf32> to vector<8x1024xf32>
    %add3A_1297 = arith.addf %add3A_1295, %slice3A_1296 : vector<8x1024xf32>
    %add3A_1298 = arith.constant 856 : i32
    %add3A_1299 = vector.broadcast %add3A_1298 : i32 to vector<8x1024xi32>
    %add3A_1300 = arith.addi %iota3A, %add3A_1299 : vector<8x1024xi32>
    %lt3A_1301 = arith.cmpf olt, %add3A_1297, %select_n3A_1290 : vector<8x1024xf32>
    %select_n3A_1302 = arith.select %lt3A_1301, %add3A_1297, %select_n3A_1290 : vector<8x1024xi1>, vector<8x1024xf32>
    %select_n3A_1303 = arith.select %lt3A_1301, %add3A_1300, %select_n3A_1291 : vector<8x1024xi1>, vector<8x1024xi32>
    %slice3A_1304 = vector.extract_strided_slice %dot_general3A_9 {offsets = [864, 0], sizes = [8, 1], strides = [1, 1]} : vector<1024x1xf32> to vector<8x1xf32>
    %add3A_1305 = vector.broadcast %dot_general3A_6 : vector<1x1024xf32> to vector<8x1024xf32>
    %add3A_1306 = vector.broadcast %slice3A_1304 : vector<8x1xf32> to vector<8x1024xf32>
    %add3A_1307 = arith.addf %add3A_1305, %add3A_1306 : vector<8x1024xf32>
    %slice3A_1308 = vector.extract_strided_slice %dot_general3A_14 {offsets = [864, 0], sizes = [8, 1024], strides = [1, 1]} : vector<1024x1024xf32> to vector<8x1024xf32>
    %add3A_1309 = arith.addf %add3A_1307, %slice3A_1308 : vector<8x1024xf32>
    %add3A_1310 = arith.constant 864 : i32
    %add3A_1311 = vector.broadcast %add3A_1310 : i32 to vector<8x1024xi32>
    %add3A_1312 = arith.addi %iota3A, %add3A_1311 : vector<8x1024xi32>
    %lt3A_1313 = arith.cmpf olt, %add3A_1309, %select_n3A_1302 : vector<8x1024xf32>
    %select_n3A_1314 = arith.select %lt3A_1313, %add3A_1309, %select_n3A_1302 : vector<8x1024xi1>, vector<8x1024xf32>
    %select_n3A_1315 = arith.select %lt3A_1313, %add3A_1312, %select_n3A_1303 : vector<8x1024xi1>, vector<8x1024xi32>
    %slice3A_1316 = vector.extract_strided_slice %dot_general3A_9 {offsets = [872, 0], sizes = [8, 1], strides = [1, 1]} : vector<1024x1xf32> to vector<8x1xf32>
    %add3A_1317 = vector.broadcast %dot_general3A_6 : vector<1x1024xf32> to vector<8x1024xf32>
    %add3A_1318 = vector.broadcast %slice3A_1316 : vector<8x1xf32> to vector<8x1024xf32>
    %add3A_1319 = arith.addf %add3A_1317, %add3A_1318 : vector<8x1024xf32>
    %slice3A_1320 = vector.extract_strided_slice %dot_general3A_14 {offsets = [872, 0], sizes = [8, 1024], strides = [1, 1]} : vector<1024x1024xf32> to vector<8x1024xf32>
    %add3A_1321 = arith.addf %add3A_1319, %slice3A_1320 : vector<8x1024xf32>
    %add3A_1322 = arith.constant 872 : i32
    %add3A_1323 = vector.broadcast %add3A_1322 : i32 to vector<8x1024xi32>
    %add3A_1324 = arith.addi %iota3A, %add3A_1323 : vector<8x1024xi32>
    %lt3A_1325 = arith.cmpf olt, %add3A_1321, %select_n3A_1314 : vector<8x1024xf32>
    %select_n3A_1326 = arith.select %lt3A_1325, %add3A_1321, %select_n3A_1314 : vector<8x1024xi1>, vector<8x1024xf32>
    %select_n3A_1327 = arith.select %lt3A_1325, %add3A_1324, %select_n3A_1315 : vector<8x1024xi1>, vector<8x1024xi32>
    %slice3A_1328 = vector.extract_strided_slice %dot_general3A_9 {offsets = [880, 0], sizes = [8, 1], strides = [1, 1]} : vector<1024x1xf32> to vector<8x1xf32>
    %add3A_1329 = vector.broadcast %dot_general3A_6 : vector<1x1024xf32> to vector<8x1024xf32>
    %add3A_1330 = vector.broadcast %slice3A_1328 : vector<8x1xf32> to vector<8x1024xf32>
    %add3A_1331 = arith.addf %add3A_1329, %add3A_1330 : vector<8x1024xf32>
    %slice3A_1332 = vector.extract_strided_slice %dot_general3A_14 {offsets = [880, 0], sizes = [8, 1024], strides = [1, 1]} : vector<1024x1024xf32> to vector<8x1024xf32>
    %add3A_1333 = arith.addf %add3A_1331, %slice3A_1332 : vector<8x1024xf32>
    %add3A_1334 = arith.constant 880 : i32
    %add3A_1335 = vector.broadcast %add3A_1334 : i32 to vector<8x1024xi32>
    %add3A_1336 = arith.addi %iota3A, %add3A_1335 : vector<8x1024xi32>
    %lt3A_1337 = arith.cmpf olt, %add3A_1333, %select_n3A_1326 : vector<8x1024xf32>
    %select_n3A_1338 = arith.select %lt3A_1337, %add3A_1333, %select_n3A_1326 : vector<8x1024xi1>, vector<8x1024xf32>
    %select_n3A_1339 = arith.select %lt3A_1337, %add3A_1336, %select_n3A_1327 : vector<8x1024xi1>, vector<8x1024xi32>
    %slice3A_1340 = vector.extract_strided_slice %dot_general3A_9 {offsets = [888, 0], sizes = [8, 1], strides = [1, 1]} : vector<1024x1xf32> to vector<8x1xf32>
    %add3A_1341 = vector.broadcast %dot_general3A_6 : vector<1x1024xf32> to vector<8x1024xf32>
    %add3A_1342 = vector.broadcast %slice3A_1340 : vector<8x1xf32> to vector<8x1024xf32>
    %add3A_1343 = arith.addf %add3A_1341, %add3A_1342 : vector<8x1024xf32>
    %slice3A_1344 = vector.extract_strided_slice %dot_general3A_14 {offsets = [888, 0], sizes = [8, 1024], strides = [1, 1]} : vector<1024x1024xf32> to vector<8x1024xf32>
    %add3A_1345 = arith.addf %add3A_1343, %slice3A_1344 : vector<8x1024xf32>
    %add3A_1346 = arith.constant 888 : i32
    %add3A_1347 = vector.broadcast %add3A_1346 : i32 to vector<8x1024xi32>
    %add3A_1348 = arith.addi %iota3A, %add3A_1347 : vector<8x1024xi32>
    %lt3A_1349 = arith.cmpf olt, %add3A_1345, %select_n3A_1338 : vector<8x1024xf32>
    %select_n3A_1350 = arith.select %lt3A_1349, %add3A_1345, %select_n3A_1338 : vector<8x1024xi1>, vector<8x1024xf32>
    %select_n3A_1351 = arith.select %lt3A_1349, %add3A_1348, %select_n3A_1339 : vector<8x1024xi1>, vector<8x1024xi32>
    %slice3A_1352 = vector.extract_strided_slice %dot_general3A_9 {offsets = [896, 0], sizes = [8, 1], strides = [1, 1]} : vector<1024x1xf32> to vector<8x1xf32>
    %add3A_1353 = vector.broadcast %dot_general3A_6 : vector<1x1024xf32> to vector<8x1024xf32>
    %add3A_1354 = vector.broadcast %slice3A_1352 : vector<8x1xf32> to vector<8x1024xf32>
    %add3A_1355 = arith.addf %add3A_1353, %add3A_1354 : vector<8x1024xf32>
    %slice3A_1356 = vector.extract_strided_slice %dot_general3A_14 {offsets = [896, 0], sizes = [8, 1024], strides = [1, 1]} : vector<1024x1024xf32> to vector<8x1024xf32>
    %add3A_1357 = arith.addf %add3A_1355, %slice3A_1356 : vector<8x1024xf32>
    %add3A_1358 = arith.constant 896 : i32
    %add3A_1359 = vector.broadcast %add3A_1358 : i32 to vector<8x1024xi32>
    %add3A_1360 = arith.addi %iota3A, %add3A_1359 : vector<8x1024xi32>
    %lt3A_1361 = arith.cmpf olt, %add3A_1357, %select_n3A_1350 : vector<8x1024xf32>
    %select_n3A_1362 = arith.select %lt3A_1361, %add3A_1357, %select_n3A_1350 : vector<8x1024xi1>, vector<8x1024xf32>
    %select_n3A_1363 = arith.select %lt3A_1361, %add3A_1360, %select_n3A_1351 : vector<8x1024xi1>, vector<8x1024xi32>
    %slice3A_1364 = vector.extract_strided_slice %dot_general3A_9 {offsets = [904, 0], sizes = [8, 1], strides = [1, 1]} : vector<1024x1xf32> to vector<8x1xf32>
    %add3A_1365 = vector.broadcast %dot_general3A_6 : vector<1x1024xf32> to vector<8x1024xf32>
    %add3A_1366 = vector.broadcast %slice3A_1364 : vector<8x1xf32> to vector<8x1024xf32>
    %add3A_1367 = arith.addf %add3A_1365, %add3A_1366 : vector<8x1024xf32>
    %slice3A_1368 = vector.extract_strided_slice %dot_general3A_14 {offsets = [904, 0], sizes = [8, 1024], strides = [1, 1]} : vector<1024x1024xf32> to vector<8x1024xf32>
    %add3A_1369 = arith.addf %add3A_1367, %slice3A_1368 : vector<8x1024xf32>
    %add3A_1370 = arith.constant 904 : i32
    %add3A_1371 = vector.broadcast %add3A_1370 : i32 to vector<8x1024xi32>
    %add3A_1372 = arith.addi %iota3A, %add3A_1371 : vector<8x1024xi32>
    %lt3A_1373 = arith.cmpf olt, %add3A_1369, %select_n3A_1362 : vector<8x1024xf32>
    %select_n3A_1374 = arith.select %lt3A_1373, %add3A_1369, %select_n3A_1362 : vector<8x1024xi1>, vector<8x1024xf32>
    %select_n3A_1375 = arith.select %lt3A_1373, %add3A_1372, %select_n3A_1363 : vector<8x1024xi1>, vector<8x1024xi32>
    %slice3A_1376 = vector.extract_strided_slice %dot_general3A_9 {offsets = [912, 0], sizes = [8, 1], strides = [1, 1]} : vector<1024x1xf32> to vector<8x1xf32>
    %add3A_1377 = vector.broadcast %dot_general3A_6 : vector<1x1024xf32> to vector<8x1024xf32>
    %add3A_1378 = vector.broadcast %slice3A_1376 : vector<8x1xf32> to vector<8x1024xf32>
    %add3A_1379 = arith.addf %add3A_1377, %add3A_1378 : vector<8x1024xf32>
    %slice3A_1380 = vector.extract_strided_slice %dot_general3A_14 {offsets = [912, 0], sizes = [8, 1024], strides = [1, 1]} : vector<1024x1024xf32> to vector<8x1024xf32>
    %add3A_1381 = arith.addf %add3A_1379, %slice3A_1380 : vector<8x1024xf32>
    %add3A_1382 = arith.constant 912 : i32
    %add3A_1383 = vector.broadcast %add3A_1382 : i32 to vector<8x1024xi32>
    %add3A_1384 = arith.addi %iota3A, %add3A_1383 : vector<8x1024xi32>
    %lt3A_1385 = arith.cmpf olt, %add3A_1381, %select_n3A_1374 : vector<8x1024xf32>
    %select_n3A_1386 = arith.select %lt3A_1385, %add3A_1381, %select_n3A_1374 : vector<8x1024xi1>, vector<8x1024xf32>
    %select_n3A_1387 = arith.select %lt3A_1385, %add3A_1384, %select_n3A_1375 : vector<8x1024xi1>, vector<8x1024xi32>
    %slice3A_1388 = vector.extract_strided_slice %dot_general3A_9 {offsets = [920, 0], sizes = [8, 1], strides = [1, 1]} : vector<1024x1xf32> to vector<8x1xf32>
    %add3A_1389 = vector.broadcast %dot_general3A_6 : vector<1x1024xf32> to vector<8x1024xf32>
    %add3A_1390 = vector.broadcast %slice3A_1388 : vector<8x1xf32> to vector<8x1024xf32>
    %add3A_1391 = arith.addf %add3A_1389, %add3A_1390 : vector<8x1024xf32>
    %slice3A_1392 = vector.extract_strided_slice %dot_general3A_14 {offsets = [920, 0], sizes = [8, 1024], strides = [1, 1]} : vector<1024x1024xf32> to vector<8x1024xf32>
    %add3A_1393 = arith.addf %add3A_1391, %slice3A_1392 : vector<8x1024xf32>
    %add3A_1394 = arith.constant 920 : i32
    %add3A_1395 = vector.broadcast %add3A_1394 : i32 to vector<8x1024xi32>
    %add3A_1396 = arith.addi %iota3A, %add3A_1395 : vector<8x1024xi32>
    %lt3A_1397 = arith.cmpf olt, %add3A_1393, %select_n3A_1386 : vector<8x1024xf32>
    %select_n3A_1398 = arith.select %lt3A_1397, %add3A_1393, %select_n3A_1386 : vector<8x1024xi1>, vector<8x1024xf32>
    %select_n3A_1399 = arith.select %lt3A_1397, %add3A_1396, %select_n3A_1387 : vector<8x1024xi1>, vector<8x1024xi32>
    %slice3A_1400 = vector.extract_strided_slice %dot_general3A_9 {offsets = [928, 0], sizes = [8, 1], strides = [1, 1]} : vector<1024x1xf32> to vector<8x1xf32>
    %add3A_1401 = vector.broadcast %dot_general3A_6 : vector<1x1024xf32> to vector<8x1024xf32>
    %add3A_1402 = vector.broadcast %slice3A_1400 : vector<8x1xf32> to vector<8x1024xf32>
    %add3A_1403 = arith.addf %add3A_1401, %add3A_1402 : vector<8x1024xf32>
    %slice3A_1404 = vector.extract_strided_slice %dot_general3A_14 {offsets = [928, 0], sizes = [8, 1024], strides = [1, 1]} : vector<1024x1024xf32> to vector<8x1024xf32>
    %add3A_1405 = arith.addf %add3A_1403, %slice3A_1404 : vector<8x1024xf32>
    %add3A_1406 = arith.constant 928 : i32
    %add3A_1407 = vector.broadcast %add3A_1406 : i32 to vector<8x1024xi32>
    %add3A_1408 = arith.addi %iota3A, %add3A_1407 : vector<8x1024xi32>
    %lt3A_1409 = arith.cmpf olt, %add3A_1405, %select_n3A_1398 : vector<8x1024xf32>
    %select_n3A_1410 = arith.select %lt3A_1409, %add3A_1405, %select_n3A_1398 : vector<8x1024xi1>, vector<8x1024xf32>
    %select_n3A_1411 = arith.select %lt3A_1409, %add3A_1408, %select_n3A_1399 : vector<8x1024xi1>, vector<8x1024xi32>
    %slice3A_1412 = vector.extract_strided_slice %dot_general3A_9 {offsets = [936, 0], sizes = [8, 1], strides = [1, 1]} : vector<1024x1xf32> to vector<8x1xf32>
    %add3A_1413 = vector.broadcast %dot_general3A_6 : vector<1x1024xf32> to vector<8x1024xf32>
    %add3A_1414 = vector.broadcast %slice3A_1412 : vector<8x1xf32> to vector<8x1024xf32>
    %add3A_1415 = arith.addf %add3A_1413, %add3A_1414 : vector<8x1024xf32>
    %slice3A_1416 = vector.extract_strided_slice %dot_general3A_14 {offsets = [936, 0], sizes = [8, 1024], strides = [1, 1]} : vector<1024x1024xf32> to vector<8x1024xf32>
    %add3A_1417 = arith.addf %add3A_1415, %slice3A_1416 : vector<8x1024xf32>
    %add3A_1418 = arith.constant 936 : i32
    %add3A_1419 = vector.broadcast %add3A_1418 : i32 to vector<8x1024xi32>
    %add3A_1420 = arith.addi %iota3A, %add3A_1419 : vector<8x1024xi32>
    %lt3A_1421 = arith.cmpf olt, %add3A_1417, %select_n3A_1410 : vector<8x1024xf32>
    %select_n3A_1422 = arith.select %lt3A_1421, %add3A_1417, %select_n3A_1410 : vector<8x1024xi1>, vector<8x1024xf32>
    %select_n3A_1423 = arith.select %lt3A_1421, %add3A_1420, %select_n3A_1411 : vector<8x1024xi1>, vector<8x1024xi32>
    %slice3A_1424 = vector.extract_strided_slice %dot_general3A_9 {offsets = [944, 0], sizes = [8, 1], strides = [1, 1]} : vector<1024x1xf32> to vector<8x1xf32>
    %add3A_1425 = vector.broadcast %dot_general3A_6 : vector<1x1024xf32> to vector<8x1024xf32>
    %add3A_1426 = vector.broadcast %slice3A_1424 : vector<8x1xf32> to vector<8x1024xf32>
    %add3A_1427 = arith.addf %add3A_1425, %add3A_1426 : vector<8x1024xf32>
    %slice3A_1428 = vector.extract_strided_slice %dot_general3A_14 {offsets = [944, 0], sizes = [8, 1024], strides = [1, 1]} : vector<1024x1024xf32> to vector<8x1024xf32>
    %add3A_1429 = arith.addf %add3A_1427, %slice3A_1428 : vector<8x1024xf32>
    %add3A_1430 = arith.constant 944 : i32
    %add3A_1431 = vector.broadcast %add3A_1430 : i32 to vector<8x1024xi32>
    %add3A_1432 = arith.addi %iota3A, %add3A_1431 : vector<8x1024xi32>
    %lt3A_1433 = arith.cmpf olt, %add3A_1429, %select_n3A_1422 : vector<8x1024xf32>
    %select_n3A_1434 = arith.select %lt3A_1433, %add3A_1429, %select_n3A_1422 : vector<8x1024xi1>, vector<8x1024xf32>
    %select_n3A_1435 = arith.select %lt3A_1433, %add3A_1432, %select_n3A_1423 : vector<8x1024xi1>, vector<8x1024xi32>
    %slice3A_1436 = vector.extract_strided_slice %dot_general3A_9 {offsets = [952, 0], sizes = [8, 1], strides = [1, 1]} : vector<1024x1xf32> to vector<8x1xf32>
    %add3A_1437 = vector.broadcast %dot_general3A_6 : vector<1x1024xf32> to vector<8x1024xf32>
    %add3A_1438 = vector.broadcast %slice3A_1436 : vector<8x1xf32> to vector<8x1024xf32>
    %add3A_1439 = arith.addf %add3A_1437, %add3A_1438 : vector<8x1024xf32>
    %slice3A_1440 = vector.extract_strided_slice %dot_general3A_14 {offsets = [952, 0], sizes = [8, 1024], strides = [1, 1]} : vector<1024x1024xf32> to vector<8x1024xf32>
    %add3A_1441 = arith.addf %add3A_1439, %slice3A_1440 : vector<8x1024xf32>
    %add3A_1442 = arith.constant 952 : i32
    %add3A_1443 = vector.broadcast %add3A_1442 : i32 to vector<8x1024xi32>
    %add3A_1444 = arith.addi %iota3A, %add3A_1443 : vector<8x1024xi32>
    %lt3A_1445 = arith.cmpf olt, %add3A_1441, %select_n3A_1434 : vector<8x1024xf32>
    %select_n3A_1446 = arith.select %lt3A_1445, %add3A_1441, %select_n3A_1434 : vector<8x1024xi1>, vector<8x1024xf32>
    %select_n3A_1447 = arith.select %lt3A_1445, %add3A_1444, %select_n3A_1435 : vector<8x1024xi1>, vector<8x1024xi32>
    %slice3A_1448 = vector.extract_strided_slice %dot_general3A_9 {offsets = [960, 0], sizes = [8, 1], strides = [1, 1]} : vector<1024x1xf32> to vector<8x1xf32>
    %add3A_1449 = vector.broadcast %dot_general3A_6 : vector<1x1024xf32> to vector<8x1024xf32>
    %add3A_1450 = vector.broadcast %slice3A_1448 : vector<8x1xf32> to vector<8x1024xf32>
    %add3A_1451 = arith.addf %add3A_1449, %add3A_1450 : vector<8x1024xf32>
    %slice3A_1452 = vector.extract_strided_slice %dot_general3A_14 {offsets = [960, 0], sizes = [8, 1024], strides = [1, 1]} : vector<1024x1024xf32> to vector<8x1024xf32>
    %add3A_1453 = arith.addf %add3A_1451, %slice3A_1452 : vector<8x1024xf32>
    %add3A_1454 = arith.constant 960 : i32
    %add3A_1455 = vector.broadcast %add3A_1454 : i32 to vector<8x1024xi32>
    %add3A_1456 = arith.addi %iota3A, %add3A_1455 : vector<8x1024xi32>
    %lt3A_1457 = arith.cmpf olt, %add3A_1453, %select_n3A_1446 : vector<8x1024xf32>
    %select_n3A_1458 = arith.select %lt3A_1457, %add3A_1453, %select_n3A_1446 : vector<8x1024xi1>, vector<8x1024xf32>
    %select_n3A_1459 = arith.select %lt3A_1457, %add3A_1456, %select_n3A_1447 : vector<8x1024xi1>, vector<8x1024xi32>
    %slice3A_1460 = vector.extract_strided_slice %dot_general3A_9 {offsets = [968, 0], sizes = [8, 1], strides = [1, 1]} : vector<1024x1xf32> to vector<8x1xf32>
    %add3A_1461 = vector.broadcast %dot_general3A_6 : vector<1x1024xf32> to vector<8x1024xf32>
    %add3A_1462 = vector.broadcast %slice3A_1460 : vector<8x1xf32> to vector<8x1024xf32>
    %add3A_1463 = arith.addf %add3A_1461, %add3A_1462 : vector<8x1024xf32>
    %slice3A_1464 = vector.extract_strided_slice %dot_general3A_14 {offsets = [968, 0], sizes = [8, 1024], strides = [1, 1]} : vector<1024x1024xf32> to vector<8x1024xf32>
    %add3A_1465 = arith.addf %add3A_1463, %slice3A_1464 : vector<8x1024xf32>
    %add3A_1466 = arith.constant 968 : i32
    %add3A_1467 = vector.broadcast %add3A_1466 : i32 to vector<8x1024xi32>
    %add3A_1468 = arith.addi %iota3A, %add3A_1467 : vector<8x1024xi32>
    %lt3A_1469 = arith.cmpf olt, %add3A_1465, %select_n3A_1458 : vector<8x1024xf32>
    %select_n3A_1470 = arith.select %lt3A_1469, %add3A_1465, %select_n3A_1458 : vector<8x1024xi1>, vector<8x1024xf32>
    %select_n3A_1471 = arith.select %lt3A_1469, %add3A_1468, %select_n3A_1459 : vector<8x1024xi1>, vector<8x1024xi32>
    %slice3A_1472 = vector.extract_strided_slice %dot_general3A_9 {offsets = [976, 0], sizes = [8, 1], strides = [1, 1]} : vector<1024x1xf32> to vector<8x1xf32>
    %add3A_1473 = vector.broadcast %dot_general3A_6 : vector<1x1024xf32> to vector<8x1024xf32>
    %add3A_1474 = vector.broadcast %slice3A_1472 : vector<8x1xf32> to vector<8x1024xf32>
    %add3A_1475 = arith.addf %add3A_1473, %add3A_1474 : vector<8x1024xf32>
    %slice3A_1476 = vector.extract_strided_slice %dot_general3A_14 {offsets = [976, 0], sizes = [8, 1024], strides = [1, 1]} : vector<1024x1024xf32> to vector<8x1024xf32>
    %add3A_1477 = arith.addf %add3A_1475, %slice3A_1476 : vector<8x1024xf32>
    %add3A_1478 = arith.constant 976 : i32
    %add3A_1479 = vector.broadcast %add3A_1478 : i32 to vector<8x1024xi32>
    %add3A_1480 = arith.addi %iota3A, %add3A_1479 : vector<8x1024xi32>
    %lt3A_1481 = arith.cmpf olt, %add3A_1477, %select_n3A_1470 : vector<8x1024xf32>
    %select_n3A_1482 = arith.select %lt3A_1481, %add3A_1477, %select_n3A_1470 : vector<8x1024xi1>, vector<8x1024xf32>
    %select_n3A_1483 = arith.select %lt3A_1481, %add3A_1480, %select_n3A_1471 : vector<8x1024xi1>, vector<8x1024xi32>
    %slice3A_1484 = vector.extract_strided_slice %dot_general3A_9 {offsets = [984, 0], sizes = [8, 1], strides = [1, 1]} : vector<1024x1xf32> to vector<8x1xf32>
    %add3A_1485 = vector.broadcast %dot_general3A_6 : vector<1x1024xf32> to vector<8x1024xf32>
    %add3A_1486 = vector.broadcast %slice3A_1484 : vector<8x1xf32> to vector<8x1024xf32>
    %add3A_1487 = arith.addf %add3A_1485, %add3A_1486 : vector<8x1024xf32>
    %slice3A_1488 = vector.extract_strided_slice %dot_general3A_14 {offsets = [984, 0], sizes = [8, 1024], strides = [1, 1]} : vector<1024x1024xf32> to vector<8x1024xf32>
    %add3A_1489 = arith.addf %add3A_1487, %slice3A_1488 : vector<8x1024xf32>
    %add3A_1490 = arith.constant 984 : i32
    %add3A_1491 = vector.broadcast %add3A_1490 : i32 to vector<8x1024xi32>
    %add3A_1492 = arith.addi %iota3A, %add3A_1491 : vector<8x1024xi32>
    %lt3A_1493 = arith.cmpf olt, %add3A_1489, %select_n3A_1482 : vector<8x1024xf32>
    %select_n3A_1494 = arith.select %lt3A_1493, %add3A_1489, %select_n3A_1482 : vector<8x1024xi1>, vector<8x1024xf32>
    %select_n3A_1495 = arith.select %lt3A_1493, %add3A_1492, %select_n3A_1483 : vector<8x1024xi1>, vector<8x1024xi32>
    %slice3A_1496 = vector.extract_strided_slice %dot_general3A_9 {offsets = [992, 0], sizes = [8, 1], strides = [1, 1]} : vector<1024x1xf32> to vector<8x1xf32>
    %add3A_1497 = vector.broadcast %dot_general3A_6 : vector<1x1024xf32> to vector<8x1024xf32>
    %add3A_1498 = vector.broadcast %slice3A_1496 : vector<8x1xf32> to vector<8x1024xf32>
    %add3A_1499 = arith.addf %add3A_1497, %add3A_1498 : vector<8x1024xf32>
    %slice3A_1500 = vector.extract_strided_slice %dot_general3A_14 {offsets = [992, 0], sizes = [8, 1024], strides = [1, 1]} : vector<1024x1024xf32> to vector<8x1024xf32>
    %add3A_1501 = arith.addf %add3A_1499, %slice3A_1500 : vector<8x1024xf32>
    %add3A_1502 = arith.constant 992 : i32
    %add3A_1503 = vector.broadcast %add3A_1502 : i32 to vector<8x1024xi32>
    %add3A_1504 = arith.addi %iota3A, %add3A_1503 : vector<8x1024xi32>
    %lt3A_1505 = arith.cmpf olt, %add3A_1501, %select_n3A_1494 : vector<8x1024xf32>
    %select_n3A_1506 = arith.select %lt3A_1505, %add3A_1501, %select_n3A_1494 : vector<8x1024xi1>, vector<8x1024xf32>
    %select_n3A_1507 = arith.select %lt3A_1505, %add3A_1504, %select_n3A_1495 : vector<8x1024xi1>, vector<8x1024xi32>
    %slice3A_1508 = vector.extract_strided_slice %dot_general3A_9 {offsets = [1000, 0], sizes = [8, 1], strides = [1, 1]} : vector<1024x1xf32> to vector<8x1xf32>
    %add3A_1509 = vector.broadcast %dot_general3A_6 : vector<1x1024xf32> to vector<8x1024xf32>
    %add3A_1510 = vector.broadcast %slice3A_1508 : vector<8x1xf32> to vector<8x1024xf32>
    %add3A_1511 = arith.addf %add3A_1509, %add3A_1510 : vector<8x1024xf32>
    %slice3A_1512 = vector.extract_strided_slice %dot_general3A_14 {offsets = [1000, 0], sizes = [8, 1024], strides = [1, 1]} : vector<1024x1024xf32> to vector<8x1024xf32>
    %add3A_1513 = arith.addf %add3A_1511, %slice3A_1512 : vector<8x1024xf32>
    %add3A_1514 = arith.constant 1000 : i32
    %add3A_1515 = vector.broadcast %add3A_1514 : i32 to vector<8x1024xi32>
    %add3A_1516 = arith.addi %iota3A, %add3A_1515 : vector<8x1024xi32>
    %lt3A_1517 = arith.cmpf olt, %add3A_1513, %select_n3A_1506 : vector<8x1024xf32>
    %select_n3A_1518 = arith.select %lt3A_1517, %add3A_1513, %select_n3A_1506 : vector<8x1024xi1>, vector<8x1024xf32>
    %select_n3A_1519 = arith.select %lt3A_1517, %add3A_1516, %select_n3A_1507 : vector<8x1024xi1>, vector<8x1024xi32>
    %slice3A_1520 = vector.extract_strided_slice %dot_general3A_9 {offsets = [1008, 0], sizes = [8, 1], strides = [1, 1]} : vector<1024x1xf32> to vector<8x1xf32>
    %add3A_1521 = vector.broadcast %dot_general3A_6 : vector<1x1024xf32> to vector<8x1024xf32>
    %add3A_1522 = vector.broadcast %slice3A_1520 : vector<8x1xf32> to vector<8x1024xf32>
    %add3A_1523 = arith.addf %add3A_1521, %add3A_1522 : vector<8x1024xf32>
    %slice3A_1524 = vector.extract_strided_slice %dot_general3A_14 {offsets = [1008, 0], sizes = [8, 1024], strides = [1, 1]} : vector<1024x1024xf32> to vector<8x1024xf32>
    %add3A_1525 = arith.addf %add3A_1523, %slice3A_1524 : vector<8x1024xf32>
    %add3A_1526 = arith.constant 1008 : i32
    %add3A_1527 = vector.broadcast %add3A_1526 : i32 to vector<8x1024xi32>
    %add3A_1528 = arith.addi %iota3A, %add3A_1527 : vector<8x1024xi32>
    %lt3A_1529 = arith.cmpf olt, %add3A_1525, %select_n3A_1518 : vector<8x1024xf32>
    %select_n3A_1530 = arith.select %lt3A_1529, %add3A_1525, %select_n3A_1518 : vector<8x1024xi1>, vector<8x1024xf32>
    %select_n3A_1531 = arith.select %lt3A_1529, %add3A_1528, %select_n3A_1519 : vector<8x1024xi1>, vector<8x1024xi32>
    %slice3A_1532 = vector.extract_strided_slice %dot_general3A_9 {offsets = [1016, 0], sizes = [8, 1], strides = [1, 1]} : vector<1024x1xf32> to vector<8x1xf32>
    %add3A_1533 = vector.broadcast %dot_general3A_6 : vector<1x1024xf32> to vector<8x1024xf32>
    %add3A_1534 = vector.broadcast %slice3A_1532 : vector<8x1xf32> to vector<8x1024xf32>
    %add3A_1535 = arith.addf %add3A_1533, %add3A_1534 : vector<8x1024xf32>
    %slice3A_1536 = vector.extract_strided_slice %dot_general3A_14 {offsets = [1016, 0], sizes = [8, 1024], strides = [1, 1]} : vector<1024x1024xf32> to vector<8x1024xf32>
    %add3A_1537 = arith.addf %add3A_1535, %slice3A_1536 : vector<8x1024xf32>
    %add3A_1538 = arith.constant 1016 : i32
    %add3A_1539 = vector.broadcast %add3A_1538 : i32 to vector<8x1024xi32>
    %add3A_1540 = arith.addi %iota3A, %add3A_1539 : vector<8x1024xi32>
    %lt3A_1541 = arith.cmpf olt, %add3A_1537, %select_n3A_1530 : vector<8x1024xf32>
    %select_n3A_1542 = arith.select %lt3A_1541, %add3A_1537, %select_n3A_1530 : vector<8x1024xi1>, vector<8x1024xf32>
    %select_n3A_1543 = arith.select %lt3A_1541, %add3A_1540, %select_n3A_1531 : vector<8x1024xi1>, vector<8x1024xi32>
    %slice3A_1544 = vector.extract_strided_slice %select_n3A_1542 {offsets = [0, 0], sizes = [4, 1024], strides = [1, 1]} : vector<8x1024xf32> to vector<4x1024xf32>
    %slice3A_1545 = vector.extract_strided_slice %select_n3A_1542 {offsets = [4, 0], sizes = [4, 1024], strides = [1, 1]} : vector<8x1024xf32> to vector<4x1024xf32>
    %slice3A_1546 = vector.extract_strided_slice %select_n3A_1543 {offsets = [0, 0], sizes = [4, 1024], strides = [1, 1]} : vector<8x1024xi32> to vector<4x1024xi32>
    %slice3A_1547 = vector.extract_strided_slice %select_n3A_1543 {offsets = [4, 0], sizes = [4, 1024], strides = [1, 1]} : vector<8x1024xi32> to vector<4x1024xi32>
    %lt3A_1548 = arith.cmpf olt, %slice3A_1545, %slice3A_1544 : vector<4x1024xf32>
    %eq3A = arith.cmpf oeq, %slice3A_1545, %slice3A_1544 : vector<4x1024xf32>
    %lt3A_1549 = arith.cmpi slt, %slice3A_1547, %slice3A_1546 : vector<4x1024xi32>
    %and3A = arith.andi %eq3A, %lt3A_1549 : vector<4x1024xi1>
    %or3A = arith.ori %lt3A_1548, %and3A : vector<4x1024xi1>
    %select_n3A_1550 = arith.select %or3A, %slice3A_1547, %slice3A_1546 : vector<4x1024xi1>, vector<4x1024xi32>
    %select_n3A_1551 = arith.select %or3A, %slice3A_1545, %slice3A_1544 : vector<4x1024xi1>, vector<4x1024xf32>
    %slice3A_1552 = vector.extract_strided_slice %select_n3A_1551 {offsets = [0, 0], sizes = [2, 1024], strides = [1, 1]} : vector<4x1024xf32> to vector<2x1024xf32>
    %slice3A_1553 = vector.extract_strided_slice %select_n3A_1551 {offsets = [2, 0], sizes = [2, 1024], strides = [1, 1]} : vector<4x1024xf32> to vector<2x1024xf32>
    %slice3A_1554 = vector.extract_strided_slice %select_n3A_1550 {offsets = [0, 0], sizes = [2, 1024], strides = [1, 1]} : vector<4x1024xi32> to vector<2x1024xi32>
    %slice3A_1555 = vector.extract_strided_slice %select_n3A_1550 {offsets = [2, 0], sizes = [2, 1024], strides = [1, 1]} : vector<4x1024xi32> to vector<2x1024xi32>
    %lt3A_1556 = arith.cmpf olt, %slice3A_1553, %slice3A_1552 : vector<2x1024xf32>
    %eq3A_1557 = arith.cmpf oeq, %slice3A_1553, %slice3A_1552 : vector<2x1024xf32>
    %lt3A_1558 = arith.cmpi slt, %slice3A_1555, %slice3A_1554 : vector<2x1024xi32>
    %and3A_1559 = arith.andi %eq3A_1557, %lt3A_1558 : vector<2x1024xi1>
    %or3A_1560 = arith.ori %lt3A_1556, %and3A_1559 : vector<2x1024xi1>
    %select_n3A_1561 = arith.select %or3A_1560, %slice3A_1555, %slice3A_1554 : vector<2x1024xi1>, vector<2x1024xi32>
    %select_n3A_1562 = arith.select %or3A_1560, %slice3A_1553, %slice3A_1552 : vector<2x1024xi1>, vector<2x1024xf32>
    %slice3A_1563 = vector.extract_strided_slice %select_n3A_1562 {offsets = [0, 0], sizes = [1, 1024], strides = [1, 1]} : vector<2x1024xf32> to vector<1x1024xf32>
    %slice3A_1564 = vector.extract_strided_slice %select_n3A_1562 {offsets = [1, 0], sizes = [1, 1024], strides = [1, 1]} : vector<2x1024xf32> to vector<1x1024xf32>
    %slice3A_1565 = vector.extract_strided_slice %select_n3A_1561 {offsets = [0, 0], sizes = [1, 1024], strides = [1, 1]} : vector<2x1024xi32> to vector<1x1024xi32>
    %slice3A_1566 = vector.extract_strided_slice %select_n3A_1561 {offsets = [1, 0], sizes = [1, 1024], strides = [1, 1]} : vector<2x1024xi32> to vector<1x1024xi32>
    %lt3A_1567 = arith.cmpf olt, %slice3A_1564, %slice3A_1563 : vector<1x1024xf32>
    %eq3A_1568 = arith.cmpf oeq, %slice3A_1564, %slice3A_1563 : vector<1x1024xf32>
    %lt3A_1569 = arith.cmpi slt, %slice3A_1566, %slice3A_1565 : vector<1x1024xi32>
    %and3A_1570 = arith.andi %eq3A_1568, %lt3A_1569 : vector<1x1024xi1>
    %or3A_1571 = arith.ori %lt3A_1567, %and3A_1570 : vector<1x1024xi1>
    %select_n3A_1572 = arith.select %or3A_1571, %slice3A_1566, %slice3A_1565 : vector<1x1024xi1>, vector<1x1024xi32>
    %select_n3A_1573 = arith.select %or3A_1571, %slice3A_1564, %slice3A_1563 : vector<1x1024xi1>, vector<1x1024xf32>
    %reshape3A = vector.shape_cast %select_n3A_1572 : vector<1x1024xi32> to vector<1024xi32>
    %swap3A = arith.constant 0 : index
    %swap3A_1574 = vector.load %arg3[%swap3A] : memref<1024xi32, #tpu.memory_space<vmem>>, vector<1024xi32>
    tpu.vector_store %arg3[%swap3A], %reshape3A {strides = array<i32>} : memref<1024xi32, #tpu.memory_space<vmem>>, vector<1024xi32>,
    %get3A_1575 = arith.constant 0 : index
    %get3A_1576 = arith.constant 0 : index
    %get3A_1577 = vector.load %arg4[%get3A_1575, %get3A_1576] : memref<1x1xf32, #tpu.memory_space<vmem>>, vector<1x1xf32>
    %eq3A_1578 = arith.constant 0 : i32
    %eq3A_1579 = arith.cmpi eq, %arg0, %eq3A_1578 : i32
    %squeeze3A = vector.extract %get3A_1577[0, 0] : f32 from vector<1x1xf32>
    %jit3A = arith.constant 0.000000e+00 : f32
    %select_n3A_1580 = arith.select %eq3A_1579, %jit3A, %squeeze3A : f32
    %reduce_sum3A = vector.shape_cast %select_n3A_1573 : vector<1x1024xf32> to vector<1x1x1024xf32>
    %reduce_sum3A_1581 = arith.constant dense<0.000000e+00> : vector<1xf32>
    %reduce_sum3A_1582 = vector.multi_reduction <add>, %reduce_sum3A, %reduce_sum3A_1581 [1, 2] : vector<1x1x1024xf32> to vector<1xf32>
    %reduce_sum3A_1583 = vector.shape_cast %reduce_sum3A_1582 : vector<1xf32> to vector<1x1x1xf32>
    %reduce_sum3A_1584 = vector.extract %reduce_sum3A_1583[0, 0, 0] : f32 from vector<1x1x1xf32>
    %add3A_1585 = arith.addf %select_n3A_1580, %reduce_sum3A_1584 : f32
    %eq3A_1586 = arith.constant 8 : i32
    %eq3A_1587 = arith.cmpi eq, %arg0, %eq3A_1586 : i32
    %mul3A_1588 = arith.constant 4.23855255E-7 : f32
    %mul3A_1589 = arith.mulf %add3A_1585, %mul3A_1588 : f32
    %select_n3A_1590 = arith.select %eq3A_1587, %mul3A_1589, %add3A_1585 : f32
    %reshape3A_1591 = vector.broadcast %select_n3A_1590 : f32 to vector<1x1xf32>
    %swap3A_1592 = arith.constant 0 : index
    %swap3A_1593 = arith.constant 0 : index
    %swap3A_1594 = vector.load %arg4[%swap3A_1592, %swap3A_1593] : memref<1x1xf32, #tpu.memory_space<vmem>>, vector<1x1xf32>
    tpu.vector_store %arg4[%swap3A_1592, %swap3A_1593], %reshape3A_1591 {strides = array<i32>} : memref<1x1xf32, #tpu.memory_space<vmem>>, vector<1x1xf32>,
    return
  }
  func.func @transform_0(%arg0: i32) -> (i32, i32) {
    %c0_i32 = arith.constant 0 : i32
    %c0_i32_0 = arith.constant 0 : i32
    return %arg0, %c0_i32 : i32, i32
  }
  func.func @transform_1(%arg0: i32) -> (i32, i32) {
    %c0_i32 = arith.constant 0 : i32
    %c0_i32_0 = arith.constant 0 : i32
    %c0_i32_1 = arith.constant 0 : i32
    return %c0_i32, %c0_i32_0 : i32, i32
  }
  func.func @transform_2(%arg0: i32) -> i32 {
    %c0_i32 = arith.constant 0 : i32
    return %arg0 : i32
  }
  func.func @transform_3(%arg0: i32) -> (i32, i32) {
    %c0_i32 = arith.constant 0 : i32
    %c0_i32_0 = arith.constant 0 : i32
    %c0_i32_1 = arith.constant 0 : i32
    return %c0_i32, %c0_i32_0 : i32, i32
  }
}

</mosaic_0001>

<sc_bundles>
// kernel: kernel.4.cloned.1.call-start
scs
__scs_entry_jumppad:
0x0: {  	(pc) =	sbr.rel $0x88, $3  }
0x1: {  	(tag) =	ssettag $0x0;
	lr =	simm.s32 $0x1  }
0x2: {  	[smem:$0x3F9F] =	sst lr;
	_ =	strace $0xD0000000  }
0x3: {  	_ = 	snop  }
0x4: {  	_ = 	snop  }
0x5: {  	_ = 	snop  }
0x6: {  	_ = 	snop  }
0x7: {  	_ = 	snop  }
__scs_overlays_trampoline_lowered:
0x8: {  	[smem:$0x3FAE] =	sst s0  }
0x9: {  	[smem:$0x3FAF] =	sst s1  }
0xa: {  	[smem:$0x3FB0] =	sst s2  }
0xb: {  	[smem:$0x3FB1] =	sst s3  }
0xc: {  	[smem:$0x3FB2] =	sst s4  }
0xd: {  	[smem:$0x3FB3] =	sst s5  }
0xe: {  	[smem:$0x3FB4] =	sst s6  }
0xf: {  	[smem:$0x3FB5] =	sst s7  }
0x10: {  	[smem:$0x3FB6] =	sst s8  }
0x11: {  	[smem:$0x3FB7] =	sst s9;
	s0 =	simm.s32 @!p0 $0x0  }
0x12: {  	s1 =	sld [smem:$0x3F9D];
	s0 =	simm.s32 @p0 $0x1  }
0x13: {  	[smem:$0x3FB8] =	sst s0;
	s0 =	simm.s32 @!p1 $0x0  }
0x14: {  	s2 =	sld [smem:$0x3F9C];
	s0 =	simm.s32 @p1 $0x1  }
0x15: {  	[smem:$0x3FB9] =	sst s0;
	s0 =	simm.s32 @!p2 $0x0  }
0x16: {  	s3 =	sld [smem:$0x3FDB];
	s0 =	simm.s32 @p2 $0x1  }
0x17: {  	s4 =	simm.s32 $0x1BF5;
	[smem:$0x3FBB] =	sst s0  }
0x18: {  	s0 =	sld [smem:$0x3F9E];
	_ =	swait.ge [sflag:s4], $0x0  }
0x19: {  	s7 =	sld [smem:$0x3F9F]  }
0x1a: {  	s8 =	sadd.s32 $0xFFFFE003, lr  }
0x1b: {  	s9 =	sadd.s32 $0xFFFFFEF7, lr;
	s5 =	simm.s32 $0xFFFFFFFF;
	p2 =	slt.u32 s8, $0xFFFFF086  }
0x1c: {  	p1 =	slt.u32 s9, $0xF7A;
	s5 =	simm.s32 @!p2 $0x0  }
0x1d: {  	s5 =	simm.s32 @p1 $0x1;
	p0 =	seq.s32 s7, s2  }
0x1e: {  	s7 =	smul.u32 @!p0 $0xF7A, s2;
	p2 =	seq.s32 @!p0 s5, $0x0  }
0x1f: {  	s9 =	smul.u32 $0xF7A, s1;
	s8 =	simm.s32 @!p0 $0x1BF5;
	p2 =	por !p2, p0  }
0x20: {  	[sflag:s8] =	ssyncset.s32 @!p0 $0xFFFFF086;
	s6 =	sadd.s32 @!p0 s3, s7;
	s7 =	simm.s32 @!p0 $0x108  }
0x21: {  	s3 =	sadd.s32 s3, s9;
	s6 =	sadd.s32 @!p0 $0x88, s6;
	s7 =	simm.s32 @p2 $0x1082  }
0x22: {  	[simem:s7], [sflag:s8] =	dma.local @!p0 [hbm:s6], $0xF7A  }
0x23: {  	s9 =	sor.u32 $0xD0000000, s2;
	s6 =	simm.s32 $0x108;
	_ =	swait.ge @!p0 [sflag:s8], $0x0  }
0x24: {  	s3 =	sadd.s32 $0x88, s3;
	s6 =	simm.s32 @!p1 $0x1082;
	[sflag:s4] =	ssyncset.s32 $0xFFFFF086  }
0x25: {  	[simem:s6], [sflag:s4] =	dma.local [hbm:s3], $0xF7A  }
0x26: {  	[smem:$0x3F9F] =	sst s1;
	(tag) =	ssettag s2;
	_ =	strace s9  }
0x27: {  	s1 =	sld [smem:$0x3FAF]  }
0x28: {  	s2 =	sld [smem:$0x3FB0]  }
0x29: {  	s4 =	sld [smem:$0x3FB2]  }
0x2a: {  	p0 =	seq.s32 s5, $0x0;
	s5 =	sld [smem:$0x3FB3]  }
0x2b: {  	s6 =	sld [smem:$0x3FB4]  }
0x2c: {  	s7 =	sld [smem:$0x3FB5]  }
0x2d: {  	s3 =	simm.s32 $0x108;
	s8 =	sld [smem:$0x3FB6]  }
0x2e: {  	s3 =	simm.s32 @!p0 $0x1082;
	s9 =	sld [smem:$0x3FB7]  }
0x2f: {  	lr =	sadd.s32 s0, s3;
	s0 =	sld [smem:$0x3FAE]  }
0x30: {  	s3 =	sld [smem:$0x3FB1]  }
0x31: {  	[smem:$0x3FBA] =	sst s10  }
0x32: {  	s10 =	sld [smem:$0x3FB8];
	_ =	sdelay $0x3  }
0x33: {  	p0 =	seq.s32 s10, $0x1;
	s10 =	sld [smem:$0x3FBA];
	_ =	sdelay $0x3  }
0x34: {  	[smem:$0x3FBA] =	sst s10  }
0x35: {  	s10 =	sld [smem:$0x3FB9];
	_ =	sdelay $0x3  }
0x36: {  	p1 =	seq.s32 s10, $0x1;
	s10 =	sld [smem:$0x3FBA];
	_ =	sdelay $0x3  }
0x37: {  	[smem:$0x3FBA] =	sst s10  }
0x38: {  	s10 =	sld [smem:$0x3FBB]  }
0x39: {  	_ = 	snop;
	(pc) =	sbr.ind lr, $3  }
0x3a: {  	_ = 	snop  }
0x3b: {  	_ = 	snop  }
0x3c: {  	p2 =	seq.s32 s10, $0x1;
	s10 =	sld [smem:$0x3FBA]  }
0x3d: {  	_ =	shalt  }
0x3e: {  	_ =	shalt  }
0x3f: {  	_ =	shalt  }
0x40: {  	_ =	shalt  }
0x41: {  	_ =	shalt  }
0x42: {  	_ =	shalt  }
0x43: {  	_ =	shalt  }
0x44: {  	_ =	shalt  }
0x45: {  	_ =	shalt  }
0x46: {  	_ =	shalt  }
0x47: {  	_ =	shalt  }
0x48: {  	_ =	shalt  }
0x49: {  	_ =	shalt  }
0x4a: {  	_ =	shalt  }
0x4b: {  	_ =	shalt  }
0x4c: {  	_ =	shalt  }
0x4d: {  	_ =	shalt  }
0x4e: {  	_ =	shalt  }
0x4f: {  	_ =	shalt  }
0x50: {  	_ =	shalt  }
0x51: {  	_ =	shalt  }
0x52: {  	_ =	shalt  }
0x53: {  	_ =	shalt  }
0x54: {  	_ =	shalt  }
0x55: {  	_ =	shalt  }
0x56: {  	_ =	shalt  }
0x57: {  	_ =	shalt  }
0x58: {  	_ =	shalt  }
0x59: {  	_ =	shalt  }
0x5a: {  	_ =	shalt  }
0x5b: {  	_ =	shalt  }
0x5c: {  	_ =	shalt  }
0x5d: {  	_ =	shalt  }
0x5e: {  	_ =	shalt  }
0x5f: {  	_ =	shalt  }
0x60: {  	_ =	shalt  }
0x61: {  	_ =	shalt  }
0x62: {  	_ =	shalt  }
0x63: {  	_ =	shalt  }
0x64: {  	_ =	shalt  }
0x65: {  	_ =	shalt  }
0x66: {  	_ =	shalt  }
0x67: {  	_ =	shalt  }
0x68: {  	_ =	shalt  }
0x69: {  	_ =	shalt  }
0x6a: {  	_ =	shalt  }
0x6b: {  	_ =	shalt  }
0x6c: {  	_ =	shalt  }
0x6d: {  	_ =	shalt  }
0x6e: {  	_ =	shalt  }
0x6f: {  	_ =	shalt  }
0x70: {  	_ =	shalt  }
0x71: {  	_ =	shalt  }
0x72: {  	_ =	shalt  }
0x73: {  	_ =	shalt  }
0x74: {  	_ =	shalt  }
0x75: {  	_ =	shalt  }
0x76: {  	_ =	shalt  }
0x77: {  	_ =	shalt  }
0x78: {  	_ =	shalt  }
0x79: {  	_ =	shalt  }
0x7a: {  	_ =	shalt  }
0x7b: {  	_ =	shalt  }
0x7c: {  	_ =	shalt  }
0x7d: {  	_ =	shalt  }
0x7e: {  	_ =	shalt  }
0x7f: {  	_ =	shalt  }
0x80: {  	_ =	shalt  }
0x81: {  	_ =	shalt  }
0x82: {  	_ =	shalt  }
0x83: {  	_ =	shalt  }
0x84: {  	_ =	shalt  }
0x85: {  	_ =	shalt  }
0x86: {  	_ =	shalt  }
0x87: {  	_ =	shalt  }
.Lfunc_end0:
.L_simem_size_0:
called_computation_lowered:
.L_overlay_start_0:
0x88: {  	s2 =	sld [smem:$0x3FD9]  }
0x89: {  	s3 =	sld [smem:$0x3FFE];
	_ =	sdelay $0x1  }
0x8a: {  	s1 =	srdreg.scid  }
0x8b: {  	s0 =	sand.u32 $0x1, s1  }
0x8c: {  	s14 =	sshll.u32 s0, $0xA;
	s2 =	sadd.s32 s3, s2  }
0x8d: {  	s2 =	sadd.s32 s2, s14  }
0x8e: {  	[smem:$0x3FC6] =	sst s2  }
0x8f: {  	_ = 	snop  }
0x90: {  	s2 =	sld [smem:$0x3FD0];
	_ =	sdelay $0x2  }
0x91: {  	s15 =	simm.s32 $0xA;
	s4 =	simm.s32 $0x10  }
0x92: {  	[smem:s4], [sflag:s15] =	dma.local [hbm:s2], $0x1  }
0x93: {  	_ =	swait.eq [sflag:s15], $0x1  }
0x94: {  	[sflag:s15] =	ssyncset.done $0x0  }
0x95: {  	s16 =	sld [smem:$0x10];
	[sflag:s15] =	ssyncadd.s32 $0xFFFFFFFF  }
0x96: {  	s17 =	sld [smem:$0x12];
	(tm) =	ssettm $0x1  }
0x97: {  	s18 =	sld [smem:$0x3FFB];
	_ =	sdelay $0x3  }
0x98: {  	_ =	strace s18  }
0x99: {  	s4 =	sld [smem:$0x3FFC];
	_ =	sdelay $0x3  }
0x9a: {  	_ =	strace s4  }
0x9b: {  	s4 =	sld [smem:$0x3FFD];
	_ =	sdelay $0x3  }
0x9c: {  	_ =	strace s4  }
0x9d: {  	_ =	strace $0x8FFFFFFF  }
0x9e: {  	s19 =	sld [smem:$0x3FDB];
	_ =	sdelay $0x1  }
0x9f: {  	s5 =	simm.s32 $_scs_section_size  }
0xa0: {  	s6 =	simm.s32 $_size__tile_overlayer_lowered;
	s7 =	simm.s32 $_tile_overlayer_lowered  }
0xa1: {  	s22 =	simm.s32 $0x1BFF;
	s21 =	sshll.u32 s7, $0x1;
	s4 =	sadd.s32 s5, s19  }
0xa2: {  	s8 =	simm.s32 $0x0;
	s20 =	sshll.u32 s6, $0x1;
	s6 =	sadd.s32 s21, s4  }
0xa3: {  	[timem:s8], [sflag:s22] =	dma.local [hbm:s6], s20  }
0xa4: {  	_ =	swait.ge [sflag:s22], s20  }
0xa5: {  	s5 =	ssub.s32 $0x0, s20;
	[sflag:s22] =	ssyncset.done $0x0  }
0xa6: {  	[sflag:s22] =	ssyncadd.s32 s5;
	_ =	sdelay $0x1  }
0xa7: {  	s23 =	simm.s32 $0x1B8B  }
0xa8: {  	_ =	swait.ge [sflag:s23], $0x1  }
0xa9: {  	[sflag:s23] =	ssyncset.done $0x0  }
0xaa: {  	s25 =	simm.s32 $0x1B8E;
	s24 =	sld [smem:$0x3FFE];
	[sflag:s23] =	ssyncadd.s32 $0xFFFFFFFF  }
0xab: {  	s26 =	simm.s32 $execute0_lowered;
	[smem:$0x3FD2] =	sst s25  }
0xac: {  	s6 =	sshll.u32 s26, $0x1;
	_ =	strace $0x80000046;
	[dreg:$0x1] =	wrdreg $0xFFFFFFFF  }
0xad: {  	s28 =	simm.s32 $_size_execute0_lowered;
	s4 =	sadd.s32 s4, s6;
	[dreg:$0x0] =	wrdreg $0x0  }
0xae: {  	s6 =	sshll.u32 s28, $0x1;
	[dreg:$0x2] =	wrdreg s4  }
0xaf: {  	[dreg:$0x3] =	wrdreg s6  }
0xb0: {  	[dreg:$0x4] =	wrdreg $0xC0  }
0xb1: {  	_ =	task [dreg:s8], $0x5FFFF  }
0xb2: {  	[dreg:$0x1] =	wrdreg $0xFFFFFFFF  }
0xb3: {  	[dreg:$0x0] =	wrdreg $0x60  }
0xb4: {  	[dreg:$0x2] =	wrdreg s24  }
0xb5: {  	[dreg:$0x3] =	wrdreg s17  }
0xb6: {  	[dreg:$0x4] =	wrdreg s16  }
0xb7: {  	[dreg:$0x5] =	wrdreg $0x9  }
0xb8: {  	_ =	task.clear_ibuf [dreg:s8], $0x6FFFF;
	_ =	strace $0x90000046  }
0xb9: {  	s29 =	simm.s32 $0x9;
	_ =	strace $0x80000048  }
0xba: {  	_ =	swait.ge [sflag:s29], $0x1  }
0xbb: {  	[sflag:s29] =	ssyncadd.s32 $0xFFFFFFFF  }
0xbc: {  	_ =	strace $0x90000048  }
0xbd: {  	_ =	sfence  }
0xbe: {  	s30 =	sld [smem:$0x0];
	_ =	sdelay $0x2  }
0xbf: {  	s31 =	sshll.u32 s1, $0xD;
	s1 =	sshrl.u32 s1, $0x2  }
0xc0: {  	s3 =	sand.u32 $0x4000, s31;
	s1 =	sadd.s32 s1, s30  }
0xc1: {  	s0 =	sor.u32 s3, s0;
	s1 =	sshll.u32 s1, $0x11  }
0xc2: {  	s0 =	sor.u32 s1, s0  }
0xc3: {  	s0 =	sadd.s32 $0x8F2B, s0  }
0xc4: {  	[sflag:s0] =	ssyncadd.remote.s32 $0x1  }
0xc5: {  	_ =	sfence.sel $0xFFFF  }
0xc6: {  	[dreg:$0x0] =	wrdreg $0xFFFFFFFF;
	(pc) =	sbr.abs _section_cstart, $3  }
0xc7: {  	[dreg:$0x1] =	wrdreg $0xFFFFFFFF  }
0xc8: {  	_ =	task.clear_ibuf [dreg:s8], $0x2FFFF;
	_ =	strace $0x9FFFFFFF  }
0xc9: {  	(tm) =	ssettm $0x7FFFFFFF  }
tec
execute0_lowered:
.L_overlay_start_1:
0x0: {  	(tag) =	ssettag $0x1  }
0x1: {  	s5 =	rddreg [dreg:$0x0]  }
0x2: {  	s1 =	srdreg.scid;
	s0 =	stileid.u32  }
0x3: {  	s3 =	rddreg [dreg:$0x1];
	s6 =	sand.u32 $0x1, s1;
	s30 =	sshll.u32 s0, $0x1  }
0x4: {  	s8 =	rddreg [dreg:$0x2];
	s2 =	simm.s32 $0x0;
	s9 =	sor.u32 s6, s30  }
0x5: {  	[smem:$0x7FF] =	sst s2;
	s4 =	smul.u32 $0x24, s9  }
0x6: {  	s1 =	rddreg [dreg:$0x3];
	_ =	strace $0x80000047  }
0x7: {  	s10 =	ssub.s32 $0x2, s6;
	s4 =	sadd.s32 s3, s4;
	s3 =	simm.s32 $0x2  }
0x8: {  	[tilespmem:s2], [sflag:$0x2] =	stream.linear.gather [hbm4b:s4+s2], $0x120, $0x38;
	[tilespmem:$0x4920] =	vst v63  }
0x9: {  	s7 =	simm.s32 $0x1;
	s11 =	sshrl.u32 s10, $0x1;
	_ =	swait.ge [sflag:s3], $0x120  }
0xa: {  	s5 =	sadd.s32 $0x600, s5;
	s10 =	ssub.s32 s10, s11;
	[sflag:s3] =	ssyncset.done $0x0  }
0xb: {  	s6 =	simm.s32 $0x120;
	s31 =	smax.u32 s10, $0x1;
	[sflag:s3] =	ssyncadd.s32 $0xFFFFFEE0  }
0xc: {  	[tilespmem:s6], [sflag:$0x1] =	stream.indirect.gather [hbm4b:s5+s6], $0x40, s2, s6, $0xb8;
	[tilespmem:$0x4920] =	vst v63  }
0xd: {  	s9 =	smul.u32 $0x900, s9;
	p0 =	sne.s32 s31, $0x1;
	_ =	swait.ge [sflag:s7], $0x4800  }
.Ltmp0:
0xe: {  	[sflag:s7] =	ssyncset.done $0x0;
	(pc) =	sbr.rel @!p0 .LBB2_2-.Ltmp0, $4  }
0xf: {  	s8 =	sadd.s32 s8, s9;
	[sflag:s7] =	ssyncadd.s32 $0xFFFFB800  }
0x10: {  	[hbm4b:s8+s2] =	stream.linear.scatter [tilespmem:s6], [sflag:$0x2], $0x4800, $0x38;
	[tilespmem:$0x4920] =	vst v63  }
0x11: {  	_ =	swait.ge [sflag:s3], $0x4800  }
0x12: {  	s9 =	sadd.s32 $0xFFFFFFFF, s31;
	[sflag:s3] =	ssyncset.done $0x0  }
.LBB2_1:
0x13: {  	p0 =	sne.s32 s9, $0x1;
	s9 =	sadd.s32 $0xFFFFFFFF, s9;
	[sflag:s3] =	ssyncadd.s32 $0xFFFFB800  }
0x14: {  	[tilespmem:s2], [sflag:$0x2] =	stream.linear.gather [hbm4b:s4+s2], $0x120, $0x38;
	[tilespmem:$0x4920] =	vst v63  }
0x15: {  	_ =	swait.ge [sflag:s3], $0x120  }
0x16: {  	[sflag:s3] =	ssyncset.done $0x0  }
0x17: {  	[sflag:s3] =	ssyncadd.s32 $0xFFFFFEE0  }
0x18: {  	[tilespmem:s6], [sflag:$0x1] =	stream.indirect.gather [hbm4b:s5+s6], $0x40, s2, s6, $0xb8;
	[tilespmem:$0x4920] =	vst v63  }
0x19: {  	_ =	swait.ge [sflag:s7], $0x4800  }
.Ltmp1:
0x1a: {  	[sflag:s7] =	ssyncset.done $0x0;
	(pc) =	sbr.rel @p0 .LBB2_1-.Ltmp1, $4  }
0x1b: {  	[sflag:s7] =	ssyncadd.s32 $0xFFFFB800  }
0x1c: {  	[hbm4b:s8+s2] =	stream.linear.scatter [tilespmem:s6], [sflag:$0x2], $0x4800, $0x38;
	[tilespmem:$0x4920] =	vst v63  }
0x1d: {  	_ =	swait.ge [sflag:s3], $0x4800  }
0x1e: {  	[sflag:s3] =	ssyncset.done $0x0  }
.LBB2_2:
0x1f: {  	[sflag:s3] =	ssyncadd.s32 $0xFFFFB800  }
0x20: {  	_ =	sfence.sel $0x180000  }
0x21: {  	[bflag:$0x0] =	sbarrier.arrive $0xFFFF  }
0x22: {  	p0 =	sne.s32 s0, $0x0;
	_ =	strace $0x90000047  }
0x23: {  	s0 =	sadd.s32 @!p0 $0x100000, s1;
	[bflag:$0x2] =	sbarrier.arrive $0xFFFF  }
0x24: {  	[sflag:s0] =	ssyncadd.tile.s32 @!p0 $0x1;
	_ =	shalt  }
.Lfunc_end2:
_tile_overlayer_lowered:
.L_overlay_start_2:
0x25: {  	(tag) =	ssettag $0x2  }
0x26: {  	s0 =	rddreg [dreg:$0x0];
	s2 =	stileid.u32  }
0x27: {  	s1 =	rddreg [dreg:$0x1];
	p0 =	sne.s32 s2, $0x0  }
0x28: {  	s3 =	rddreg [dreg:$0x2];
	[bflag:$0x3] =	sbarrier.arrive $0xFFFF;
	s2 =	simm.s32 @!p0 $0x1C02  }
0x29: {  	[timem:s3], [sflag:s2] =	dma.local @!p0 [hbm:s0], s1  }
0x2a: {  	s0 =	simm.s32 @!p0 $0x2  }
0x2b: {  	_ =	swait.ge @!p0 [sflag:s0], s1  }
0x2c: {  	s1 =	ssub.s32 @!p0 $0x0, s1;
	[sflag:s0] =	ssyncset.done @!p0 $0x0  }
0x2d: {  	[sflag:s0] =	ssyncadd.s32 @!p0 s1  }
0x2e: {  	[bflag:$0x3] =	sbarrier.arrive $0xFFFF  }
0x2f: {  	_ =	shalt  }

</sc_bundles>
